<compile_context>
chip_gen: v7x
topology: tpu7x:2x2x1
jax: 0.10.2.dev20260603
libtpu: 0.0.44.dev20260713+nightly
codegen_flags: <defaults>
</compile_context>

<pallas_src>
import functools

import jax
import jax.numpy as jnp
from jax import lax
from jax.experimental import pallas as pl
from jax.experimental.pallas import tpu as pltpu
from jax.experimental.pallas import tpu_sc as plsc

_NUM_CORES = 1
_NUM_SUBCORES = 16
_LANES = 16


def _pooling_kernel(B, S, D):
    mesh = plsc.VectorSubcoreMesh(
        core_axis_name="c",
        subcore_axis_name="s",
        num_cores=_NUM_CORES,
        num_subcores=_NUM_SUBCORES,
    )
    rows_per_core = B // _NUM_CORES
    workers_per_row = _NUM_SUBCORES // rows_per_core
    chunk = S // workers_per_row
    iters = chunk // _LANES

    @functools.partial(
        pl.kernel,
        out_type=(
            jax.ShapeDtypeStruct((B, D), jnp.float32),
            jax.ShapeDtypeStruct((_NUM_SUBCORES, _LANES), jnp.int32),
        ),
        mesh=mesh,
        scratch_types=[
            pltpu.VMEM((chunk,), jnp.int32),
            pltpu.VMEM((_LANES,), jnp.int32),
            pltpu.VMEM((workers_per_row, _LANES), jnp.int32),
            pltpu.VMEM((1, D), jnp.float32),
        ],
        compiler_params=pltpu.CompilerParams(
            needs_layout_passes=False, skip_device_barrier=True
        ),
    )
    def body(
        ids_hbm, lhs_hbm, out_hbm, stage_hbm, ids_v, acc_v, parts_v, row_v
    ):
        sid = lax.axis_index("s")
        cid = lax.axis_index("c")
        b = rows_per_core * cid + sid // workers_per_row
        part = sid % workers_per_row

        pltpu.sync_copy(ids_hbm.at[b, pl.ds(part * chunk, chunk)], ids_v)

        rev_pos = (
            jnp.int32(S - 1 - part * chunk) - lax.iota(jnp.int32, _LANES)
        )
        acc = jnp.full((_LANES,), jnp.iinfo(jnp.int32).min, jnp.int32)
        for i in range(iters):
            vals = ids_v[pl.ds(i * _LANES, _LANES)]
            keys = lax.shift_left(vals, jnp.int32(13)) + (
                rev_pos - jnp.int32(i * _LANES)
            )
            acc = jnp.maximum(acc, keys)

        acc_v[...] = acc
        pltpu.sync_copy(acc_v, stage_hbm.at[sid])
        plsc.subcore_barrier()

        @pl.when(part == 0)
        def _():
            base = (sid // workers_per_row) * workers_per_row
            pltpu.sync_copy(
                stage_hbm.at[pl.ds(base, workers_per_row)], parts_v
            )
            red = parts_v[0, :]
            for w in range(1, workers_per_row):
                red = jnp.maximum(red, parts_v[w, :])
            best = jnp.max(red)
            idx = jnp.int32(S - 1) - lax.bitwise_and(best, jnp.int32(S - 1))

            pltpu.sync_copy(lhs_hbm.at[b, pl.ds(idx, 1)], row_v)
            pltpu.sync_copy(row_v, out_hbm.at[pl.ds(b, 1)])

    return body


def kernel(input_ids, last_hidden_state):
    B, S, D = last_hidden_state.shape
    ids = input_ids.astype(jnp.int32)
    pooled, _ = _pooling_kernel(B, S, D)(ids, last_hidden_state)
    return pooled

# --- scband reference (transcript-rebuilt; emitter-appended) ---
"""Pipeline reference for scband-model-44478681317835 (READ-ONLY COPY).

The authoritative reference and input builder live on the scoring server;
editing this copy changes nothing except your own understanding.
"""

import jax, jax.numpy as jnp
import numpy as np

B, S, D = 4, 8192, 2048
VOCAB = 49408

def setup_inputs(seed: int = 0) -> dict:
    key = jax.random.key(seed)
    k1, k2 = jax.random.split(key)
    input_ids = jax.random.randint(k1, (B, S), 0, VOCAB, dtype=jnp.int64)
    last_hidden_state = jax.random.normal(k2, (B, S, D), dtype=jnp.float32)
    return {"input_ids": input_ids, "last_hidden_state": last_hidden_state}

def reference(input_ids, last_hidden_state):
    # CLIP-style pooling: gather the hidden state at the position of the
    # max token id (EOS) in each sequence.
    idx = jnp.argmax(input_ids.astype(jnp.int32), axis=-1)
    batch_idx = jnp.arange(last_hidden_state.shape[0])
    pooled_output = last_hidden_state[batch_idx, idx]
    return pooled_output

if __name__ == "__main__":
    import jax
    _d = setup_inputs()
    print(jax.jit(kernel)(*tuple(_d.values())))

</pallas_src>

<mosaic_0001>
#map = affine_map<(d0, d1) -> (0, 0)>
#map1 = affine_map<(d0, d1) -> (0, 0, 0)>
module attributes {stable_mosaic.version = 14 : i64} {
  func.func @body(%arg0: i32, %arg1: i32, %arg2: memref<4x8192xi32, #tpu.memory_space<hbm>>, %arg3: memref<4x8192x2048xf32, #tpu.memory_space<hbm>>, %arg4: memref<4x2048xf32, #tpu.memory_space<hbm>>, %arg5: memref<16x16xi32, #tpu.memory_space<hbm>>, %arg6: memref<2048xi32, #tpu.memory_space<vmem>>, %arg7: memref<16xi32, #tpu.memory_space<vmem>>, %arg8: memref<4x16xi32, #tpu.memory_space<vmem>>, %arg9: memref<1x2048xf32, #tpu.memory_space<vmem>>) attributes {dimension_semantics = [#tpu.dimension_semantics<core_parallel>, #tpu.dimension_semantics<subcore_parallel>], iteration_bounds = array<i64: 1, 16>, scalar_prefetch = 0 : i64, scratch_operands = 4 : i64, tpu.core_type = #tpu.core_type<sc_vector_subcore>, window_params = [{transform_indices = #map}, {transform_indices = #map1}, {transform_indices = #map}, {transform_indices = #map}]} {
    %mul3A = arith.constant 4 : i32
    %mul3A_0 = arith.muli %mul3A, %arg0 : i32
    %jit3A = arith.constant 4 : i32
    %div3A = arith.divsi %arg1, %jit3A : i32
    %sign3A = arith.constant 0 : i32
    %sign3A_1 = arith.cmpi sgt, %arg1, %sign3A : i32
    %sign3A_2 = arith.extui %sign3A_1 : i1 to i32
    %sign3A_3 = arith.constant 0 : i32
    %sign3A_4 = arith.cmpi slt, %arg1, %sign3A_3 : i32
    %sign3A_5 = arith.extui %sign3A_4 : i1 to i32
    %sign3A_6 = arith.subi %sign3A_2, %sign3A_5 : i32
    %sign3A_7 = arith.constant 0 : i32
    %sign3A_8 = arith.cmpi sgt, %jit3A, %sign3A_7 : i32
    %sign3A_9 = arith.extui %sign3A_8 : i1 to i32
    %sign3A_10 = arith.constant 0 : i32
    %sign3A_11 = arith.cmpi slt, %jit3A, %sign3A_10 : i32
    %sign3A_12 = arith.extui %sign3A_11 : i1 to i32
    %sign3A_13 = arith.subi %sign3A_9, %sign3A_12 : i32
    %ne3A = arith.cmpi ne, %sign3A_6, %sign3A_13 : i32
    %rem3A = arith.remsi %arg1, %jit3A : i32
    %ne3A_14 = arith.constant 0 : i32
    %ne3A_15 = arith.cmpi ne, %rem3A, %ne3A_14 : i32
    %and3A = arith.andi %ne3A, %ne3A_15 : i1
    %sub3A = arith.constant 1 : i32
    %sub3A_16 = arith.subi %div3A, %sub3A : i32
    %select_n3A = arith.select %and3A, %sub3A_16, %div3A : i32
    %add3A = arith.addi %mul3A_0, %select_n3A : i32
    %jit3A_17 = arith.constant 4 : i32
    %eq3A = arith.constant 0 : i32
    %eq3A_18 = arith.cmpi eq, %jit3A_17, %eq3A : i32
    %jit3A_19 = arith.constant 1 : i32
    %select_n3A_20 = arith.select %eq3A_18, %jit3A_19, %jit3A_17 : i32
    %rem3A_21 = arith.remsi %arg1, %select_n3A_20 : i32
    %ne3A_22 = arith.constant 0 : i32
    %ne3A_23 = arith.cmpi ne, %rem3A_21, %ne3A_22 : i32
    %lt3A = arith.constant 0 : i32
    %lt3A_24 = arith.cmpi slt, %rem3A_21, %lt3A : i32
    %lt3A_25 = arith.constant 0 : i32
    %lt3A_26 = arith.cmpi slt, %select_n3A_20, %lt3A_25 : i32
    %ne3A_27 = arith.xori %lt3A_24, %lt3A_26 : i1
    %and3A_28 = arith.andi %ne3A_27, %ne3A_23 : i1
    %add3A_29 = arith.addi %rem3A_21, %select_n3A_20 : i32
    %select_n3A_30 = arith.select %and3A_28, %add3A_29, %rem3A_21 : i32
    %mul3A_31 = arith.constant 2048 : i32
    %mul3A_32 = arith.muli %select_n3A_30, %mul3A_31 : i32
    "tpu.region"() ({
      %run_scoped3A = tpu.sem_alloc : memref<!tpu.dma_semaphore, #tpu.memory_space<semaphore_mem>>
      %dma_start3A = tpu.memref_slice %arg2[%add3A, %mul3A_32] : memref<4x8192xi32, #tpu.memory_space<hbm>> -> memref<1x2048xi32, #tpu.memory_space<hbm>>
      %dma_start3A_1321 = tpu.memref_squeeze %dma_start3A : memref<1x2048xi32, #tpu.memory_space<hbm>> -> memref<2048xi32, #tpu.memory_space<hbm>>
      %dma_start3A_1322 = tpu.memref_slice %arg2[%add3A, %mul3A_32] : memref<4x8192xi32, #tpu.memory_space<hbm>> -> memref<1x2048xi32, #tpu.memory_space<hbm>>
      %dma_start3A_1323 = tpu.memref_squeeze %dma_start3A_1322 : memref<1x2048xi32, #tpu.memory_space<hbm>> -> memref<2048xi32, #tpu.memory_space<hbm>>
      tpu.enqueue_dma source(%dma_start3A_1323 : memref<2048xi32, #tpu.memory_space<hbm>>) target(%arg6 : memref<2048xi32, #tpu.memory_space<vmem>>) target_semaphore(%run_scoped3A : memref<!tpu.dma_semaphore, #tpu.memory_space<semaphore_mem>>)
      %dma_wait3A = tpu.memref_slice %arg2[%add3A, %mul3A_32] : memref<4x8192xi32, #tpu.memory_space<hbm>> -> memref<1x2048xi32, #tpu.memory_space<hbm>>
      %dma_wait3A_1324 = tpu.memref_squeeze %dma_wait3A : memref<1x2048xi32, #tpu.memory_space<hbm>> -> memref<2048xi32, #tpu.memory_space<hbm>>
      %dma_wait3A_1325 = tpu.memref_slice %arg2[%add3A, %mul3A_32] : memref<4x8192xi32, #tpu.memory_space<hbm>> -> memref<1x2048xi32, #tpu.memory_space<hbm>>
      %dma_wait3A_1326 = tpu.memref_squeeze %dma_wait3A_1325 : memref<1x2048xi32, #tpu.memory_space<hbm>> -> memref<2048xi32, #tpu.memory_space<hbm>>
      tpu.wait_dma2 semaphore(%run_scoped3A : memref<!tpu.dma_semaphore, #tpu.memory_space<semaphore_mem>>) src(%dma_wait3A_1326 : memref<2048xi32, #tpu.memory_space<hbm>>) dst(%arg6 : memref<2048xi32, #tpu.memory_space<vmem>>)
      tpu.yield
    }) : () -> ()
    %mul3A_33 = arith.constant 2048 : i32
    %mul3A_34 = arith.muli %select_n3A_30, %mul3A_33 : i32
    %sub3A_35 = arith.constant 8191 : i32
    %sub3A_36 = arith.subi %sub3A_35, %mul3A_34 : i32
    %iota3A = tpu.iota {dimensions = array<i32: 0>} : vector<16xi32>
    %sub3A_37 = vector.broadcast %sub3A_36 : i32 to vector<16xi32>
    %sub3A_38 = arith.subi %sub3A_37, %iota3A : vector<16xi32>
    %broadcast_in_dim3A = arith.constant -2147483648 : i32
    %broadcast_in_dim3A_39 = vector.broadcast %broadcast_in_dim3A : i32 to vector<16xi32>
    %get3A = arith.constant 0 : index
    %get3A_40 = tpu.vector_load %arg6[%get3A] {strides = array<i32>} : memref<2048xi32, #tpu.memory_space<vmem>>, vector<16xi32>,
    %shift_left3A = arith.constant 13 : i32
    %shift_left3A_41 = vector.broadcast %shift_left3A : i32 to vector<16xi32>
    %shift_left3A_42 = arith.shli %get3A_40, %shift_left3A_41 : vector<16xi32>
    %sub3A_43 = arith.constant 0 : i32
    %sub3A_44 = vector.broadcast %sub3A_43 : i32 to vector<16xi32>
    %sub3A_45 = arith.subi %sub3A_38, %sub3A_44 : vector<16xi32>
    %add3A_46 = arith.addi %shift_left3A_42, %sub3A_45 : vector<16xi32>
    %max3A = arith.maxsi %broadcast_in_dim3A_39, %add3A_46 : vector<16xi32>
    %get3A_47 = arith.constant 16 : index
    %get3A_48 = tpu.vector_load %arg6[%get3A_47] {strides = array<i32>} : memref<2048xi32, #tpu.memory_space<vmem>>, vector<16xi32>,
    %shift_left3A_49 = arith.constant 13 : i32
    %shift_left3A_50 = vector.broadcast %shift_left3A_49 : i32 to vector<16xi32>
    %shift_left3A_51 = arith.shli %get3A_48, %shift_left3A_50 : vector<16xi32>
    %sub3A_52 = arith.constant 16 : i32
    %sub3A_53 = vector.broadcast %sub3A_52 : i32 to vector<16xi32>
    %sub3A_54 = arith.subi %sub3A_38, %sub3A_53 : vector<16xi32>
    %add3A_55 = arith.addi %shift_left3A_51, %sub3A_54 : vector<16xi32>
    %max3A_56 = arith.maxsi %max3A, %add3A_55 : vector<16xi32>
    %get3A_57 = arith.constant 32 : index
    %get3A_58 = tpu.vector_load %arg6[%get3A_57] {strides = array<i32>} : memref<2048xi32, #tpu.memory_space<vmem>>, vector<16xi32>,
    %shift_left3A_59 = arith.constant 13 : i32
    %shift_left3A_60 = vector.broadcast %shift_left3A_59 : i32 to vector<16xi32>
    %shift_left3A_61 = arith.shli %get3A_58, %shift_left3A_60 : vector<16xi32>
    %sub3A_62 = arith.constant 32 : i32
    %sub3A_63 = vector.broadcast %sub3A_62 : i32 to vector<16xi32>
    %sub3A_64 = arith.subi %sub3A_38, %sub3A_63 : vector<16xi32>
    %add3A_65 = arith.addi %shift_left3A_61, %sub3A_64 : vector<16xi32>
    %max3A_66 = arith.maxsi %max3A_56, %add3A_65 : vector<16xi32>
    %get3A_67 = arith.constant 48 : index
    %get3A_68 = tpu.vector_load %arg6[%get3A_67] {strides = array<i32>} : memref<2048xi32, #tpu.memory_space<vmem>>, vector<16xi32>,
    %shift_left3A_69 = arith.constant 13 : i32
    %shift_left3A_70 = vector.broadcast %shift_left3A_69 : i32 to vector<16xi32>
    %shift_left3A_71 = arith.shli %get3A_68, %shift_left3A_70 : vector<16xi32>
    %sub3A_72 = arith.constant 48 : i32
    %sub3A_73 = vector.broadcast %sub3A_72 : i32 to vector<16xi32>
    %sub3A_74 = arith.subi %sub3A_38, %sub3A_73 : vector<16xi32>
    %add3A_75 = arith.addi %shift_left3A_71, %sub3A_74 : vector<16xi32>
    %max3A_76 = arith.maxsi %max3A_66, %add3A_75 : vector<16xi32>
    %get3A_77 = arith.constant 64 : index
    %get3A_78 = tpu.vector_load %arg6[%get3A_77] {strides = array<i32>} : memref<2048xi32, #tpu.memory_space<vmem>>, vector<16xi32>,
    %shift_left3A_79 = arith.constant 13 : i32
    %shift_left3A_80 = vector.broadcast %shift_left3A_79 : i32 to vector<16xi32>
    %shift_left3A_81 = arith.shli %get3A_78, %shift_left3A_80 : vector<16xi32>
    %sub3A_82 = arith.constant 64 : i32
    %sub3A_83 = vector.broadcast %sub3A_82 : i32 to vector<16xi32>
    %sub3A_84 = arith.subi %sub3A_38, %sub3A_83 : vector<16xi32>
    %add3A_85 = arith.addi %shift_left3A_81, %sub3A_84 : vector<16xi32>
    %max3A_86 = arith.maxsi %max3A_76, %add3A_85 : vector<16xi32>
    %get3A_87 = arith.constant 80 : index
    %get3A_88 = tpu.vector_load %arg6[%get3A_87] {strides = array<i32>} : memref<2048xi32, #tpu.memory_space<vmem>>, vector<16xi32>,
    %shift_left3A_89 = arith.constant 13 : i32
    %shift_left3A_90 = vector.broadcast %shift_left3A_89 : i32 to vector<16xi32>
    %shift_left3A_91 = arith.shli %get3A_88, %shift_left3A_90 : vector<16xi32>
    %sub3A_92 = arith.constant 80 : i32
    %sub3A_93 = vector.broadcast %sub3A_92 : i32 to vector<16xi32>
    %sub3A_94 = arith.subi %sub3A_38, %sub3A_93 : vector<16xi32>
    %add3A_95 = arith.addi %shift_left3A_91, %sub3A_94 : vector<16xi32>
    %max3A_96 = arith.maxsi %max3A_86, %add3A_95 : vector<16xi32>
    %get3A_97 = arith.constant 96 : index
    %get3A_98 = tpu.vector_load %arg6[%get3A_97] {strides = array<i32>} : memref<2048xi32, #tpu.memory_space<vmem>>, vector<16xi32>,
    %shift_left3A_99 = arith.constant 13 : i32
    %shift_left3A_100 = vector.broadcast %shift_left3A_99 : i32 to vector<16xi32>
    %shift_left3A_101 = arith.shli %get3A_98, %shift_left3A_100 : vector<16xi32>
    %sub3A_102 = arith.constant 96 : i32
    %sub3A_103 = vector.broadcast %sub3A_102 : i32 to vector<16xi32>
    %sub3A_104 = arith.subi %sub3A_38, %sub3A_103 : vector<16xi32>
    %add3A_105 = arith.addi %shift_left3A_101, %sub3A_104 : vector<16xi32>
    %max3A_106 = arith.maxsi %max3A_96, %add3A_105 : vector<16xi32>
    %get3A_107 = arith.constant 112 : index
    %get3A_108 = tpu.vector_load %arg6[%get3A_107] {strides = array<i32>} : memref<2048xi32, #tpu.memory_space<vmem>>, vector<16xi32>,
    %shift_left3A_109 = arith.constant 13 : i32
    %shift_left3A_110 = vector.broadcast %shift_left3A_109 : i32 to vector<16xi32>
    %shift_left3A_111 = arith.shli %get3A_108, %shift_left3A_110 : vector<16xi32>
    %sub3A_112 = arith.constant 112 : i32
    %sub3A_113 = vector.broadcast %sub3A_112 : i32 to vector<16xi32>
    %sub3A_114 = arith.subi %sub3A_38, %sub3A_113 : vector<16xi32>
    %add3A_115 = arith.addi %shift_left3A_111, %sub3A_114 : vector<16xi32>
    %max3A_116 = arith.maxsi %max3A_106, %add3A_115 : vector<16xi32>
    %get3A_117 = arith.constant 128 : index
    %get3A_118 = tpu.vector_load %arg6[%get3A_117] {strides = array<i32>} : memref<2048xi32, #tpu.memory_space<vmem>>, vector<16xi32>,
    %shift_left3A_119 = arith.constant 13 : i32
    %shift_left3A_120 = vector.broadcast %shift_left3A_119 : i32 to vector<16xi32>
    %shift_left3A_121 = arith.shli %get3A_118, %shift_left3A_120 : vector<16xi32>
    %sub3A_122 = arith.constant 128 : i32
    %sub3A_123 = vector.broadcast %sub3A_122 : i32 to vector<16xi32>
    %sub3A_124 = arith.subi %sub3A_38, %sub3A_123 : vector<16xi32>
    %add3A_125 = arith.addi %shift_left3A_121, %sub3A_124 : vector<16xi32>
    %max3A_126 = arith.maxsi %max3A_116, %add3A_125 : vector<16xi32>
    %get3A_127 = arith.constant 144 : index
    %get3A_128 = tpu.vector_load %arg6[%get3A_127] {strides = array<i32>} : memref<2048xi32, #tpu.memory_space<vmem>>, vector<16xi32>,
    %shift_left3A_129 = arith.constant 13 : i32
    %shift_left3A_130 = vector.broadcast %shift_left3A_129 : i32 to vector<16xi32>
    %shift_left3A_131 = arith.shli %get3A_128, %shift_left3A_130 : vector<16xi32>
    %sub3A_132 = arith.constant 144 : i32
    %sub3A_133 = vector.broadcast %sub3A_132 : i32 to vector<16xi32>
    %sub3A_134 = arith.subi %sub3A_38, %sub3A_133 : vector<16xi32>
    %add3A_135 = arith.addi %shift_left3A_131, %sub3A_134 : vector<16xi32>
    %max3A_136 = arith.maxsi %max3A_126, %add3A_135 : vector<16xi32>
    %get3A_137 = arith.constant 160 : index
    %get3A_138 = tpu.vector_load %arg6[%get3A_137] {strides = array<i32>} : memref<2048xi32, #tpu.memory_space<vmem>>, vector<16xi32>,
    %shift_left3A_139 = arith.constant 13 : i32
    %shift_left3A_140 = vector.broadcast %shift_left3A_139 : i32 to vector<16xi32>
    %shift_left3A_141 = arith.shli %get3A_138, %shift_left3A_140 : vector<16xi32>
    %sub3A_142 = arith.constant 160 : i32
    %sub3A_143 = vector.broadcast %sub3A_142 : i32 to vector<16xi32>
    %sub3A_144 = arith.subi %sub3A_38, %sub3A_143 : vector<16xi32>
    %add3A_145 = arith.addi %shift_left3A_141, %sub3A_144 : vector<16xi32>
    %max3A_146 = arith.maxsi %max3A_136, %add3A_145 : vector<16xi32>
    %get3A_147 = arith.constant 176 : index
    %get3A_148 = tpu.vector_load %arg6[%get3A_147] {strides = array<i32>} : memref<2048xi32, #tpu.memory_space<vmem>>, vector<16xi32>,
    %shift_left3A_149 = arith.constant 13 : i32
    %shift_left3A_150 = vector.broadcast %shift_left3A_149 : i32 to vector<16xi32>
    %shift_left3A_151 = arith.shli %get3A_148, %shift_left3A_150 : vector<16xi32>
    %sub3A_152 = arith.constant 176 : i32
    %sub3A_153 = vector.broadcast %sub3A_152 : i32 to vector<16xi32>
    %sub3A_154 = arith.subi %sub3A_38, %sub3A_153 : vector<16xi32>
    %add3A_155 = arith.addi %shift_left3A_151, %sub3A_154 : vector<16xi32>
    %max3A_156 = arith.maxsi %max3A_146, %add3A_155 : vector<16xi32>
    %get3A_157 = arith.constant 192 : index
    %get3A_158 = tpu.vector_load %arg6[%get3A_157] {strides = array<i32>} : memref<2048xi32, #tpu.memory_space<vmem>>, vector<16xi32>,
    %shift_left3A_159 = arith.constant 13 : i32
    %shift_left3A_160 = vector.broadcast %shift_left3A_159 : i32 to vector<16xi32>
    %shift_left3A_161 = arith.shli %get3A_158, %shift_left3A_160 : vector<16xi32>
    %sub3A_162 = arith.constant 192 : i32
    %sub3A_163 = vector.broadcast %sub3A_162 : i32 to vector<16xi32>
    %sub3A_164 = arith.subi %sub3A_38, %sub3A_163 : vector<16xi32>
    %add3A_165 = arith.addi %shift_left3A_161, %sub3A_164 : vector<16xi32>
    %max3A_166 = arith.maxsi %max3A_156, %add3A_165 : vector<16xi32>
    %get3A_167 = arith.constant 208 : index
    %get3A_168 = tpu.vector_load %arg6[%get3A_167] {strides = array<i32>} : memref<2048xi32, #tpu.memory_space<vmem>>, vector<16xi32>,
    %shift_left3A_169 = arith.constant 13 : i32
    %shift_left3A_170 = vector.broadcast %shift_left3A_169 : i32 to vector<16xi32>
    %shift_left3A_171 = arith.shli %get3A_168, %shift_left3A_170 : vector<16xi32>
    %sub3A_172 = arith.constant 208 : i32
    %sub3A_173 = vector.broadcast %sub3A_172 : i32 to vector<16xi32>
    %sub3A_174 = arith.subi %sub3A_38, %sub3A_173 : vector<16xi32>
    %add3A_175 = arith.addi %shift_left3A_171, %sub3A_174 : vector<16xi32>
    %max3A_176 = arith.maxsi %max3A_166, %add3A_175 : vector<16xi32>
    %get3A_177 = arith.constant 224 : index
    %get3A_178 = tpu.vector_load %arg6[%get3A_177] {strides = array<i32>} : memref<2048xi32, #tpu.memory_space<vmem>>, vector<16xi32>,
    %shift_left3A_179 = arith.constant 13 : i32
    %shift_left3A_180 = vector.broadcast %shift_left3A_179 : i32 to vector<16xi32>
    %shift_left3A_181 = arith.shli %get3A_178, %shift_left3A_180 : vector<16xi32>
    %sub3A_182 = arith.constant 224 : i32
    %sub3A_183 = vector.broadcast %sub3A_182 : i32 to vector<16xi32>
    %sub3A_184 = arith.subi %sub3A_38, %sub3A_183 : vector<16xi32>
    %add3A_185 = arith.addi %shift_left3A_181, %sub3A_184 : vector<16xi32>
    %max3A_186 = arith.maxsi %max3A_176, %add3A_185 : vector<16xi32>
    %get3A_187 = arith.constant 240 : index
    %get3A_188 = tpu.vector_load %arg6[%get3A_187] {strides = array<i32>} : memref<2048xi32, #tpu.memory_space<vmem>>, vector<16xi32>,
    %shift_left3A_189 = arith.constant 13 : i32
    %shift_left3A_190 = vector.broadcast %shift_left3A_189 : i32 to vector<16xi32>
    %shift_left3A_191 = arith.shli %get3A_188, %shift_left3A_190 : vector<16xi32>
    %sub3A_192 = arith.constant 240 : i32
    %sub3A_193 = vector.broadcast %sub3A_192 : i32 to vector<16xi32>
    %sub3A_194 = arith.subi %sub3A_38, %sub3A_193 : vector<16xi32>
    %add3A_195 = arith.addi %shift_left3A_191, %sub3A_194 : vector<16xi32>
    %max3A_196 = arith.maxsi %max3A_186, %add3A_195 : vector<16xi32>
    %get3A_197 = arith.constant 256 : index
    %get3A_198 = tpu.vector_load %arg6[%get3A_197] {strides = array<i32>} : memref<2048xi32, #tpu.memory_space<vmem>>, vector<16xi32>,
    %shift_left3A_199 = arith.constant 13 : i32
    %shift_left3A_200 = vector.broadcast %shift_left3A_199 : i32 to vector<16xi32>
    %shift_left3A_201 = arith.shli %get3A_198, %shift_left3A_200 : vector<16xi32>
    %sub3A_202 = arith.constant 256 : i32
    %sub3A_203 = vector.broadcast %sub3A_202 : i32 to vector<16xi32>
    %sub3A_204 = arith.subi %sub3A_38, %sub3A_203 : vector<16xi32>
    %add3A_205 = arith.addi %shift_left3A_201, %sub3A_204 : vector<16xi32>
    %max3A_206 = arith.maxsi %max3A_196, %add3A_205 : vector<16xi32>
    %get3A_207 = arith.constant 272 : index
    %get3A_208 = tpu.vector_load %arg6[%get3A_207] {strides = array<i32>} : memref<2048xi32, #tpu.memory_space<vmem>>, vector<16xi32>,
    %shift_left3A_209 = arith.constant 13 : i32
    %shift_left3A_210 = vector.broadcast %shift_left3A_209 : i32 to vector<16xi32>
    %shift_left3A_211 = arith.shli %get3A_208, %shift_left3A_210 : vector<16xi32>
    %sub3A_212 = arith.constant 272 : i32
    %sub3A_213 = vector.broadcast %sub3A_212 : i32 to vector<16xi32>
    %sub3A_214 = arith.subi %sub3A_38, %sub3A_213 : vector<16xi32>
    %add3A_215 = arith.addi %shift_left3A_211, %sub3A_214 : vector<16xi32>
    %max3A_216 = arith.maxsi %max3A_206, %add3A_215 : vector<16xi32>
    %get3A_217 = arith.constant 288 : index
    %get3A_218 = tpu.vector_load %arg6[%get3A_217] {strides = array<i32>} : memref<2048xi32, #tpu.memory_space<vmem>>, vector<16xi32>,
    %shift_left3A_219 = arith.constant 13 : i32
    %shift_left3A_220 = vector.broadcast %shift_left3A_219 : i32 to vector<16xi32>
    %shift_left3A_221 = arith.shli %get3A_218, %shift_left3A_220 : vector<16xi32>
    %sub3A_222 = arith.constant 288 : i32
    %sub3A_223 = vector.broadcast %sub3A_222 : i32 to vector<16xi32>
    %sub3A_224 = arith.subi %sub3A_38, %sub3A_223 : vector<16xi32>
    %add3A_225 = arith.addi %shift_left3A_221, %sub3A_224 : vector<16xi32>
    %max3A_226 = arith.maxsi %max3A_216, %add3A_225 : vector<16xi32>
    %get3A_227 = arith.constant 304 : index
    %get3A_228 = tpu.vector_load %arg6[%get3A_227] {strides = array<i32>} : memref<2048xi32, #tpu.memory_space<vmem>>, vector<16xi32>,
    %shift_left3A_229 = arith.constant 13 : i32
    %shift_left3A_230 = vector.broadcast %shift_left3A_229 : i32 to vector<16xi32>
    %shift_left3A_231 = arith.shli %get3A_228, %shift_left3A_230 : vector<16xi32>
    %sub3A_232 = arith.constant 304 : i32
    %sub3A_233 = vector.broadcast %sub3A_232 : i32 to vector<16xi32>
    %sub3A_234 = arith.subi %sub3A_38, %sub3A_233 : vector<16xi32>
    %add3A_235 = arith.addi %shift_left3A_231, %sub3A_234 : vector<16xi32>
    %max3A_236 = arith.maxsi %max3A_226, %add3A_235 : vector<16xi32>
    %get3A_237 = arith.constant 320 : index
    %get3A_238 = tpu.vector_load %arg6[%get3A_237] {strides = array<i32>} : memref<2048xi32, #tpu.memory_space<vmem>>, vector<16xi32>,
    %shift_left3A_239 = arith.constant 13 : i32
    %shift_left3A_240 = vector.broadcast %shift_left3A_239 : i32 to vector<16xi32>
    %shift_left3A_241 = arith.shli %get3A_238, %shift_left3A_240 : vector<16xi32>
    %sub3A_242 = arith.constant 320 : i32
    %sub3A_243 = vector.broadcast %sub3A_242 : i32 to vector<16xi32>
    %sub3A_244 = arith.subi %sub3A_38, %sub3A_243 : vector<16xi32>
    %add3A_245 = arith.addi %shift_left3A_241, %sub3A_244 : vector<16xi32>
    %max3A_246 = arith.maxsi %max3A_236, %add3A_245 : vector<16xi32>
    %get3A_247 = arith.constant 336 : index
    %get3A_248 = tpu.vector_load %arg6[%get3A_247] {strides = array<i32>} : memref<2048xi32, #tpu.memory_space<vmem>>, vector<16xi32>,
    %shift_left3A_249 = arith.constant 13 : i32
    %shift_left3A_250 = vector.broadcast %shift_left3A_249 : i32 to vector<16xi32>
    %shift_left3A_251 = arith.shli %get3A_248, %shift_left3A_250 : vector<16xi32>
    %sub3A_252 = arith.constant 336 : i32
    %sub3A_253 = vector.broadcast %sub3A_252 : i32 to vector<16xi32>
    %sub3A_254 = arith.subi %sub3A_38, %sub3A_253 : vector<16xi32>
    %add3A_255 = arith.addi %shift_left3A_251, %sub3A_254 : vector<16xi32>
    %max3A_256 = arith.maxsi %max3A_246, %add3A_255 : vector<16xi32>
    %get3A_257 = arith.constant 352 : index
    %get3A_258 = tpu.vector_load %arg6[%get3A_257] {strides = array<i32>} : memref<2048xi32, #tpu.memory_space<vmem>>, vector<16xi32>,
    %shift_left3A_259 = arith.constant 13 : i32
    %shift_left3A_260 = vector.broadcast %shift_left3A_259 : i32 to vector<16xi32>
    %shift_left3A_261 = arith.shli %get3A_258, %shift_left3A_260 : vector<16xi32>
    %sub3A_262 = arith.constant 352 : i32
    %sub3A_263 = vector.broadcast %sub3A_262 : i32 to vector<16xi32>
    %sub3A_264 = arith.subi %sub3A_38, %sub3A_263 : vector<16xi32>
    %add3A_265 = arith.addi %shift_left3A_261, %sub3A_264 : vector<16xi32>
    %max3A_266 = arith.maxsi %max3A_256, %add3A_265 : vector<16xi32>
    %get3A_267 = arith.constant 368 : index
    %get3A_268 = tpu.vector_load %arg6[%get3A_267] {strides = array<i32>} : memref<2048xi32, #tpu.memory_space<vmem>>, vector<16xi32>,
    %shift_left3A_269 = arith.constant 13 : i32
    %shift_left3A_270 = vector.broadcast %shift_left3A_269 : i32 to vector<16xi32>
    %shift_left3A_271 = arith.shli %get3A_268, %shift_left3A_270 : vector<16xi32>
    %sub3A_272 = arith.constant 368 : i32
    %sub3A_273 = vector.broadcast %sub3A_272 : i32 to vector<16xi32>
    %sub3A_274 = arith.subi %sub3A_38, %sub3A_273 : vector<16xi32>
    %add3A_275 = arith.addi %shift_left3A_271, %sub3A_274 : vector<16xi32>
    %max3A_276 = arith.maxsi %max3A_266, %add3A_275 : vector<16xi32>
    %get3A_277 = arith.constant 384 : index
    %get3A_278 = tpu.vector_load %arg6[%get3A_277] {strides = array<i32>} : memref<2048xi32, #tpu.memory_space<vmem>>, vector<16xi32>,
    %shift_left3A_279 = arith.constant 13 : i32
    %shift_left3A_280 = vector.broadcast %shift_left3A_279 : i32 to vector<16xi32>
    %shift_left3A_281 = arith.shli %get3A_278, %shift_left3A_280 : vector<16xi32>
    %sub3A_282 = arith.constant 384 : i32
    %sub3A_283 = vector.broadcast %sub3A_282 : i32 to vector<16xi32>
    %sub3A_284 = arith.subi %sub3A_38, %sub3A_283 : vector<16xi32>
    %add3A_285 = arith.addi %shift_left3A_281, %sub3A_284 : vector<16xi32>
    %max3A_286 = arith.maxsi %max3A_276, %add3A_285 : vector<16xi32>
    %get3A_287 = arith.constant 400 : index
    %get3A_288 = tpu.vector_load %arg6[%get3A_287] {strides = array<i32>} : memref<2048xi32, #tpu.memory_space<vmem>>, vector<16xi32>,
    %shift_left3A_289 = arith.constant 13 : i32
    %shift_left3A_290 = vector.broadcast %shift_left3A_289 : i32 to vector<16xi32>
    %shift_left3A_291 = arith.shli %get3A_288, %shift_left3A_290 : vector<16xi32>
    %sub3A_292 = arith.constant 400 : i32
    %sub3A_293 = vector.broadcast %sub3A_292 : i32 to vector<16xi32>
    %sub3A_294 = arith.subi %sub3A_38, %sub3A_293 : vector<16xi32>
    %add3A_295 = arith.addi %shift_left3A_291, %sub3A_294 : vector<16xi32>
    %max3A_296 = arith.maxsi %max3A_286, %add3A_295 : vector<16xi32>
    %get3A_297 = arith.constant 416 : index
    %get3A_298 = tpu.vector_load %arg6[%get3A_297] {strides = array<i32>} : memref<2048xi32, #tpu.memory_space<vmem>>, vector<16xi32>,
    %shift_left3A_299 = arith.constant 13 : i32
    %shift_left3A_300 = vector.broadcast %shift_left3A_299 : i32 to vector<16xi32>
    %shift_left3A_301 = arith.shli %get3A_298, %shift_left3A_300 : vector<16xi32>
    %sub3A_302 = arith.constant 416 : i32
    %sub3A_303 = vector.broadcast %sub3A_302 : i32 to vector<16xi32>
    %sub3A_304 = arith.subi %sub3A_38, %sub3A_303 : vector<16xi32>
    %add3A_305 = arith.addi %shift_left3A_301, %sub3A_304 : vector<16xi32>
    %max3A_306 = arith.maxsi %max3A_296, %add3A_305 : vector<16xi32>
    %get3A_307 = arith.constant 432 : index
    %get3A_308 = tpu.vector_load %arg6[%get3A_307] {strides = array<i32>} : memref<2048xi32, #tpu.memory_space<vmem>>, vector<16xi32>,
    %shift_left3A_309 = arith.constant 13 : i32
    %shift_left3A_310 = vector.broadcast %shift_left3A_309 : i32 to vector<16xi32>
    %shift_left3A_311 = arith.shli %get3A_308, %shift_left3A_310 : vector<16xi32>
    %sub3A_312 = arith.constant 432 : i32
    %sub3A_313 = vector.broadcast %sub3A_312 : i32 to vector<16xi32>
    %sub3A_314 = arith.subi %sub3A_38, %sub3A_313 : vector<16xi32>
    %add3A_315 = arith.addi %shift_left3A_311, %sub3A_314 : vector<16xi32>
    %max3A_316 = arith.maxsi %max3A_306, %add3A_315 : vector<16xi32>
    %get3A_317 = arith.constant 448 : index
    %get3A_318 = tpu.vector_load %arg6[%get3A_317] {strides = array<i32>} : memref<2048xi32, #tpu.memory_space<vmem>>, vector<16xi32>,
    %shift_left3A_319 = arith.constant 13 : i32
    %shift_left3A_320 = vector.broadcast %shift_left3A_319 : i32 to vector<16xi32>
    %shift_left3A_321 = arith.shli %get3A_318, %shift_left3A_320 : vector<16xi32>
    %sub3A_322 = arith.constant 448 : i32
    %sub3A_323 = vector.broadcast %sub3A_322 : i32 to vector<16xi32>
    %sub3A_324 = arith.subi %sub3A_38, %sub3A_323 : vector<16xi32>
    %add3A_325 = arith.addi %shift_left3A_321, %sub3A_324 : vector<16xi32>
    %max3A_326 = arith.maxsi %max3A_316, %add3A_325 : vector<16xi32>
    %get3A_327 = arith.constant 464 : index
    %get3A_328 = tpu.vector_load %arg6[%get3A_327] {strides = array<i32>} : memref<2048xi32, #tpu.memory_space<vmem>>, vector<16xi32>,
    %shift_left3A_329 = arith.constant 13 : i32
    %shift_left3A_330 = vector.broadcast %shift_left3A_329 : i32 to vector<16xi32>
    %shift_left3A_331 = arith.shli %get3A_328, %shift_left3A_330 : vector<16xi32>
    %sub3A_332 = arith.constant 464 : i32
    %sub3A_333 = vector.broadcast %sub3A_332 : i32 to vector<16xi32>
    %sub3A_334 = arith.subi %sub3A_38, %sub3A_333 : vector<16xi32>
    %add3A_335 = arith.addi %shift_left3A_331, %sub3A_334 : vector<16xi32>
    %max3A_336 = arith.maxsi %max3A_326, %add3A_335 : vector<16xi32>
    %get3A_337 = arith.constant 480 : index
    %get3A_338 = tpu.vector_load %arg6[%get3A_337] {strides = array<i32>} : memref<2048xi32, #tpu.memory_space<vmem>>, vector<16xi32>,
    %shift_left3A_339 = arith.constant 13 : i32
    %shift_left3A_340 = vector.broadcast %shift_left3A_339 : i32 to vector<16xi32>
    %shift_left3A_341 = arith.shli %get3A_338, %shift_left3A_340 : vector<16xi32>
    %sub3A_342 = arith.constant 480 : i32
    %sub3A_343 = vector.broadcast %sub3A_342 : i32 to vector<16xi32>
    %sub3A_344 = arith.subi %sub3A_38, %sub3A_343 : vector<16xi32>
    %add3A_345 = arith.addi %shift_left3A_341, %sub3A_344 : vector<16xi32>
    %max3A_346 = arith.maxsi %max3A_336, %add3A_345 : vector<16xi32>
    %get3A_347 = arith.constant 496 : index
    %get3A_348 = tpu.vector_load %arg6[%get3A_347] {strides = array<i32>} : memref<2048xi32, #tpu.memory_space<vmem>>, vector<16xi32>,
    %shift_left3A_349 = arith.constant 13 : i32
    %shift_left3A_350 = vector.broadcast %shift_left3A_349 : i32 to vector<16xi32>
    %shift_left3A_351 = arith.shli %get3A_348, %shift_left3A_350 : vector<16xi32>
    %sub3A_352 = arith.constant 496 : i32
    %sub3A_353 = vector.broadcast %sub3A_352 : i32 to vector<16xi32>
    %sub3A_354 = arith.subi %sub3A_38, %sub3A_353 : vector<16xi32>
    %add3A_355 = arith.addi %shift_left3A_351, %sub3A_354 : vector<16xi32>
    %max3A_356 = arith.maxsi %max3A_346, %add3A_355 : vector<16xi32>
    %get3A_357 = arith.constant 512 : index
    %get3A_358 = tpu.vector_load %arg6[%get3A_357] {strides = array<i32>} : memref<2048xi32, #tpu.memory_space<vmem>>, vector<16xi32>,
    %shift_left3A_359 = arith.constant 13 : i32
    %shift_left3A_360 = vector.broadcast %shift_left3A_359 : i32 to vector<16xi32>
    %shift_left3A_361 = arith.shli %get3A_358, %shift_left3A_360 : vector<16xi32>
    %sub3A_362 = arith.constant 512 : i32
    %sub3A_363 = vector.broadcast %sub3A_362 : i32 to vector<16xi32>
    %sub3A_364 = arith.subi %sub3A_38, %sub3A_363 : vector<16xi32>
    %add3A_365 = arith.addi %shift_left3A_361, %sub3A_364 : vector<16xi32>
    %max3A_366 = arith.maxsi %max3A_356, %add3A_365 : vector<16xi32>
    %get3A_367 = arith.constant 528 : index
    %get3A_368 = tpu.vector_load %arg6[%get3A_367] {strides = array<i32>} : memref<2048xi32, #tpu.memory_space<vmem>>, vector<16xi32>,
    %shift_left3A_369 = arith.constant 13 : i32
    %shift_left3A_370 = vector.broadcast %shift_left3A_369 : i32 to vector<16xi32>
    %shift_left3A_371 = arith.shli %get3A_368, %shift_left3A_370 : vector<16xi32>
    %sub3A_372 = arith.constant 528 : i32
    %sub3A_373 = vector.broadcast %sub3A_372 : i32 to vector<16xi32>
    %sub3A_374 = arith.subi %sub3A_38, %sub3A_373 : vector<16xi32>
    %add3A_375 = arith.addi %shift_left3A_371, %sub3A_374 : vector<16xi32>
    %max3A_376 = arith.maxsi %max3A_366, %add3A_375 : vector<16xi32>
    %get3A_377 = arith.constant 544 : index
    %get3A_378 = tpu.vector_load %arg6[%get3A_377] {strides = array<i32>} : memref<2048xi32, #tpu.memory_space<vmem>>, vector<16xi32>,
    %shift_left3A_379 = arith.constant 13 : i32
    %shift_left3A_380 = vector.broadcast %shift_left3A_379 : i32 to vector<16xi32>
    %shift_left3A_381 = arith.shli %get3A_378, %shift_left3A_380 : vector<16xi32>
    %sub3A_382 = arith.constant 544 : i32
    %sub3A_383 = vector.broadcast %sub3A_382 : i32 to vector<16xi32>
    %sub3A_384 = arith.subi %sub3A_38, %sub3A_383 : vector<16xi32>
    %add3A_385 = arith.addi %shift_left3A_381, %sub3A_384 : vector<16xi32>
    %max3A_386 = arith.maxsi %max3A_376, %add3A_385 : vector<16xi32>
    %get3A_387 = arith.constant 560 : index
    %get3A_388 = tpu.vector_load %arg6[%get3A_387] {strides = array<i32>} : memref<2048xi32, #tpu.memory_space<vmem>>, vector<16xi32>,
    %shift_left3A_389 = arith.constant 13 : i32
    %shift_left3A_390 = vector.broadcast %shift_left3A_389 : i32 to vector<16xi32>
    %shift_left3A_391 = arith.shli %get3A_388, %shift_left3A_390 : vector<16xi32>
    %sub3A_392 = arith.constant 560 : i32
    %sub3A_393 = vector.broadcast %sub3A_392 : i32 to vector<16xi32>
    %sub3A_394 = arith.subi %sub3A_38, %sub3A_393 : vector<16xi32>
    %add3A_395 = arith.addi %shift_left3A_391, %sub3A_394 : vector<16xi32>
    %max3A_396 = arith.maxsi %max3A_386, %add3A_395 : vector<16xi32>
    %get3A_397 = arith.constant 576 : index
    %get3A_398 = tpu.vector_load %arg6[%get3A_397] {strides = array<i32>} : memref<2048xi32, #tpu.memory_space<vmem>>, vector<16xi32>,
    %shift_left3A_399 = arith.constant 13 : i32
    %shift_left3A_400 = vector.broadcast %shift_left3A_399 : i32 to vector<16xi32>
    %shift_left3A_401 = arith.shli %get3A_398, %shift_left3A_400 : vector<16xi32>
    %sub3A_402 = arith.constant 576 : i32
    %sub3A_403 = vector.broadcast %sub3A_402 : i32 to vector<16xi32>
    %sub3A_404 = arith.subi %sub3A_38, %sub3A_403 : vector<16xi32>
    %add3A_405 = arith.addi %shift_left3A_401, %sub3A_404 : vector<16xi32>
    %max3A_406 = arith.maxsi %max3A_396, %add3A_405 : vector<16xi32>
    %get3A_407 = arith.constant 592 : index
    %get3A_408 = tpu.vector_load %arg6[%get3A_407] {strides = array<i32>} : memref<2048xi32, #tpu.memory_space<vmem>>, vector<16xi32>,
    %shift_left3A_409 = arith.constant 13 : i32
    %shift_left3A_410 = vector.broadcast %shift_left3A_409 : i32 to vector<16xi32>
    %shift_left3A_411 = arith.shli %get3A_408, %shift_left3A_410 : vector<16xi32>
    %sub3A_412 = arith.constant 592 : i32
    %sub3A_413 = vector.broadcast %sub3A_412 : i32 to vector<16xi32>
    %sub3A_414 = arith.subi %sub3A_38, %sub3A_413 : vector<16xi32>
    %add3A_415 = arith.addi %shift_left3A_411, %sub3A_414 : vector<16xi32>
    %max3A_416 = arith.maxsi %max3A_406, %add3A_415 : vector<16xi32>
    %get3A_417 = arith.constant 608 : index
    %get3A_418 = tpu.vector_load %arg6[%get3A_417] {strides = array<i32>} : memref<2048xi32, #tpu.memory_space<vmem>>, vector<16xi32>,
    %shift_left3A_419 = arith.constant 13 : i32
    %shift_left3A_420 = vector.broadcast %shift_left3A_419 : i32 to vector<16xi32>
    %shift_left3A_421 = arith.shli %get3A_418, %shift_left3A_420 : vector<16xi32>
    %sub3A_422 = arith.constant 608 : i32
    %sub3A_423 = vector.broadcast %sub3A_422 : i32 to vector<16xi32>
    %sub3A_424 = arith.subi %sub3A_38, %sub3A_423 : vector<16xi32>
    %add3A_425 = arith.addi %shift_left3A_421, %sub3A_424 : vector<16xi32>
    %max3A_426 = arith.maxsi %max3A_416, %add3A_425 : vector<16xi32>
    %get3A_427 = arith.constant 624 : index
    %get3A_428 = tpu.vector_load %arg6[%get3A_427] {strides = array<i32>} : memref<2048xi32, #tpu.memory_space<vmem>>, vector<16xi32>,
    %shift_left3A_429 = arith.constant 13 : i32
    %shift_left3A_430 = vector.broadcast %shift_left3A_429 : i32 to vector<16xi32>
    %shift_left3A_431 = arith.shli %get3A_428, %shift_left3A_430 : vector<16xi32>
    %sub3A_432 = arith.constant 624 : i32
    %sub3A_433 = vector.broadcast %sub3A_432 : i32 to vector<16xi32>
    %sub3A_434 = arith.subi %sub3A_38, %sub3A_433 : vector<16xi32>
    %add3A_435 = arith.addi %shift_left3A_431, %sub3A_434 : vector<16xi32>
    %max3A_436 = arith.maxsi %max3A_426, %add3A_435 : vector<16xi32>
    %get3A_437 = arith.constant 640 : index
    %get3A_438 = tpu.vector_load %arg6[%get3A_437] {strides = array<i32>} : memref<2048xi32, #tpu.memory_space<vmem>>, vector<16xi32>,
    %shift_left3A_439 = arith.constant 13 : i32
    %shift_left3A_440 = vector.broadcast %shift_left3A_439 : i32 to vector<16xi32>
    %shift_left3A_441 = arith.shli %get3A_438, %shift_left3A_440 : vector<16xi32>
    %sub3A_442 = arith.constant 640 : i32
    %sub3A_443 = vector.broadcast %sub3A_442 : i32 to vector<16xi32>
    %sub3A_444 = arith.subi %sub3A_38, %sub3A_443 : vector<16xi32>
    %add3A_445 = arith.addi %shift_left3A_441, %sub3A_444 : vector<16xi32>
    %max3A_446 = arith.maxsi %max3A_436, %add3A_445 : vector<16xi32>
    %get3A_447 = arith.constant 656 : index
    %get3A_448 = tpu.vector_load %arg6[%get3A_447] {strides = array<i32>} : memref<2048xi32, #tpu.memory_space<vmem>>, vector<16xi32>,
    %shift_left3A_449 = arith.constant 13 : i32
    %shift_left3A_450 = vector.broadcast %shift_left3A_449 : i32 to vector<16xi32>
    %shift_left3A_451 = arith.shli %get3A_448, %shift_left3A_450 : vector<16xi32>
    %sub3A_452 = arith.constant 656 : i32
    %sub3A_453 = vector.broadcast %sub3A_452 : i32 to vector<16xi32>
    %sub3A_454 = arith.subi %sub3A_38, %sub3A_453 : vector<16xi32>
    %add3A_455 = arith.addi %shift_left3A_451, %sub3A_454 : vector<16xi32>
    %max3A_456 = arith.maxsi %max3A_446, %add3A_455 : vector<16xi32>
    %get3A_457 = arith.constant 672 : index
    %get3A_458 = tpu.vector_load %arg6[%get3A_457] {strides = array<i32>} : memref<2048xi32, #tpu.memory_space<vmem>>, vector<16xi32>,
    %shift_left3A_459 = arith.constant 13 : i32
    %shift_left3A_460 = vector.broadcast %shift_left3A_459 : i32 to vector<16xi32>
    %shift_left3A_461 = arith.shli %get3A_458, %shift_left3A_460 : vector<16xi32>
    %sub3A_462 = arith.constant 672 : i32
    %sub3A_463 = vector.broadcast %sub3A_462 : i32 to vector<16xi32>
    %sub3A_464 = arith.subi %sub3A_38, %sub3A_463 : vector<16xi32>
    %add3A_465 = arith.addi %shift_left3A_461, %sub3A_464 : vector<16xi32>
    %max3A_466 = arith.maxsi %max3A_456, %add3A_465 : vector<16xi32>
    %get3A_467 = arith.constant 688 : index
    %get3A_468 = tpu.vector_load %arg6[%get3A_467] {strides = array<i32>} : memref<2048xi32, #tpu.memory_space<vmem>>, vector<16xi32>,
    %shift_left3A_469 = arith.constant 13 : i32
    %shift_left3A_470 = vector.broadcast %shift_left3A_469 : i32 to vector<16xi32>
    %shift_left3A_471 = arith.shli %get3A_468, %shift_left3A_470 : vector<16xi32>
    %sub3A_472 = arith.constant 688 : i32
    %sub3A_473 = vector.broadcast %sub3A_472 : i32 to vector<16xi32>
    %sub3A_474 = arith.subi %sub3A_38, %sub3A_473 : vector<16xi32>
    %add3A_475 = arith.addi %shift_left3A_471, %sub3A_474 : vector<16xi32>
    %max3A_476 = arith.maxsi %max3A_466, %add3A_475 : vector<16xi32>
    %get3A_477 = arith.constant 704 : index
    %get3A_478 = tpu.vector_load %arg6[%get3A_477] {strides = array<i32>} : memref<2048xi32, #tpu.memory_space<vmem>>, vector<16xi32>,
    %shift_left3A_479 = arith.constant 13 : i32
    %shift_left3A_480 = vector.broadcast %shift_left3A_479 : i32 to vector<16xi32>
    %shift_left3A_481 = arith.shli %get3A_478, %shift_left3A_480 : vector<16xi32>
    %sub3A_482 = arith.constant 704 : i32
    %sub3A_483 = vector.broadcast %sub3A_482 : i32 to vector<16xi32>
    %sub3A_484 = arith.subi %sub3A_38, %sub3A_483 : vector<16xi32>
    %add3A_485 = arith.addi %shift_left3A_481, %sub3A_484 : vector<16xi32>
    %max3A_486 = arith.maxsi %max3A_476, %add3A_485 : vector<16xi32>
    %get3A_487 = arith.constant 720 : index
    %get3A_488 = tpu.vector_load %arg6[%get3A_487] {strides = array<i32>} : memref<2048xi32, #tpu.memory_space<vmem>>, vector<16xi32>,
    %shift_left3A_489 = arith.constant 13 : i32
    %shift_left3A_490 = vector.broadcast %shift_left3A_489 : i32 to vector<16xi32>
    %shift_left3A_491 = arith.shli %get3A_488, %shift_left3A_490 : vector<16xi32>
    %sub3A_492 = arith.constant 720 : i32
    %sub3A_493 = vector.broadcast %sub3A_492 : i32 to vector<16xi32>
    %sub3A_494 = arith.subi %sub3A_38, %sub3A_493 : vector<16xi32>
    %add3A_495 = arith.addi %shift_left3A_491, %sub3A_494 : vector<16xi32>
    %max3A_496 = arith.maxsi %max3A_486, %add3A_495 : vector<16xi32>
    %get3A_497 = arith.constant 736 : index
    %get3A_498 = tpu.vector_load %arg6[%get3A_497] {strides = array<i32>} : memref<2048xi32, #tpu.memory_space<vmem>>, vector<16xi32>,
    %shift_left3A_499 = arith.constant 13 : i32
    %shift_left3A_500 = vector.broadcast %shift_left3A_499 : i32 to vector<16xi32>
    %shift_left3A_501 = arith.shli %get3A_498, %shift_left3A_500 : vector<16xi32>
    %sub3A_502 = arith.constant 736 : i32
    %sub3A_503 = vector.broadcast %sub3A_502 : i32 to vector<16xi32>
    %sub3A_504 = arith.subi %sub3A_38, %sub3A_503 : vector<16xi32>
    %add3A_505 = arith.addi %shift_left3A_501, %sub3A_504 : vector<16xi32>
    %max3A_506 = arith.maxsi %max3A_496, %add3A_505 : vector<16xi32>
    %get3A_507 = arith.constant 752 : index
    %get3A_508 = tpu.vector_load %arg6[%get3A_507] {strides = array<i32>} : memref<2048xi32, #tpu.memory_space<vmem>>, vector<16xi32>,
    %shift_left3A_509 = arith.constant 13 : i32
    %shift_left3A_510 = vector.broadcast %shift_left3A_509 : i32 to vector<16xi32>
    %shift_left3A_511 = arith.shli %get3A_508, %shift_left3A_510 : vector<16xi32>
    %sub3A_512 = arith.constant 752 : i32
    %sub3A_513 = vector.broadcast %sub3A_512 : i32 to vector<16xi32>
    %sub3A_514 = arith.subi %sub3A_38, %sub3A_513 : vector<16xi32>
    %add3A_515 = arith.addi %shift_left3A_511, %sub3A_514 : vector<16xi32>
    %max3A_516 = arith.maxsi %max3A_506, %add3A_515 : vector<16xi32>
    %get3A_517 = arith.constant 768 : index
    %get3A_518 = tpu.vector_load %arg6[%get3A_517] {strides = array<i32>} : memref<2048xi32, #tpu.memory_space<vmem>>, vector<16xi32>,
    %shift_left3A_519 = arith.constant 13 : i32
    %shift_left3A_520 = vector.broadcast %shift_left3A_519 : i32 to vector<16xi32>
    %shift_left3A_521 = arith.shli %get3A_518, %shift_left3A_520 : vector<16xi32>
    %sub3A_522 = arith.constant 768 : i32
    %sub3A_523 = vector.broadcast %sub3A_522 : i32 to vector<16xi32>
    %sub3A_524 = arith.subi %sub3A_38, %sub3A_523 : vector<16xi32>
    %add3A_525 = arith.addi %shift_left3A_521, %sub3A_524 : vector<16xi32>
    %max3A_526 = arith.maxsi %max3A_516, %add3A_525 : vector<16xi32>
    %get3A_527 = arith.constant 784 : index
    %get3A_528 = tpu.vector_load %arg6[%get3A_527] {strides = array<i32>} : memref<2048xi32, #tpu.memory_space<vmem>>, vector<16xi32>,
    %shift_left3A_529 = arith.constant 13 : i32
    %shift_left3A_530 = vector.broadcast %shift_left3A_529 : i32 to vector<16xi32>
    %shift_left3A_531 = arith.shli %get3A_528, %shift_left3A_530 : vector<16xi32>
    %sub3A_532 = arith.constant 784 : i32
    %sub3A_533 = vector.broadcast %sub3A_532 : i32 to vector<16xi32>
    %sub3A_534 = arith.subi %sub3A_38, %sub3A_533 : vector<16xi32>
    %add3A_535 = arith.addi %shift_left3A_531, %sub3A_534 : vector<16xi32>
    %max3A_536 = arith.maxsi %max3A_526, %add3A_535 : vector<16xi32>
    %get3A_537 = arith.constant 800 : index
    %get3A_538 = tpu.vector_load %arg6[%get3A_537] {strides = array<i32>} : memref<2048xi32, #tpu.memory_space<vmem>>, vector<16xi32>,
    %shift_left3A_539 = arith.constant 13 : i32
    %shift_left3A_540 = vector.broadcast %shift_left3A_539 : i32 to vector<16xi32>
    %shift_left3A_541 = arith.shli %get3A_538, %shift_left3A_540 : vector<16xi32>
    %sub3A_542 = arith.constant 800 : i32
    %sub3A_543 = vector.broadcast %sub3A_542 : i32 to vector<16xi32>
    %sub3A_544 = arith.subi %sub3A_38, %sub3A_543 : vector<16xi32>
    %add3A_545 = arith.addi %shift_left3A_541, %sub3A_544 : vector<16xi32>
    %max3A_546 = arith.maxsi %max3A_536, %add3A_545 : vector<16xi32>
    %get3A_547 = arith.constant 816 : index
    %get3A_548 = tpu.vector_load %arg6[%get3A_547] {strides = array<i32>} : memref<2048xi32, #tpu.memory_space<vmem>>, vector<16xi32>,
    %shift_left3A_549 = arith.constant 13 : i32
    %shift_left3A_550 = vector.broadcast %shift_left3A_549 : i32 to vector<16xi32>
    %shift_left3A_551 = arith.shli %get3A_548, %shift_left3A_550 : vector<16xi32>
    %sub3A_552 = arith.constant 816 : i32
    %sub3A_553 = vector.broadcast %sub3A_552 : i32 to vector<16xi32>
    %sub3A_554 = arith.subi %sub3A_38, %sub3A_553 : vector<16xi32>
    %add3A_555 = arith.addi %shift_left3A_551, %sub3A_554 : vector<16xi32>
    %max3A_556 = arith.maxsi %max3A_546, %add3A_555 : vector<16xi32>
    %get3A_557 = arith.constant 832 : index
    %get3A_558 = tpu.vector_load %arg6[%get3A_557] {strides = array<i32>} : memref<2048xi32, #tpu.memory_space<vmem>>, vector<16xi32>,
    %shift_left3A_559 = arith.constant 13 : i32
    %shift_left3A_560 = vector.broadcast %shift_left3A_559 : i32 to vector<16xi32>
    %shift_left3A_561 = arith.shli %get3A_558, %shift_left3A_560 : vector<16xi32>
    %sub3A_562 = arith.constant 832 : i32
    %sub3A_563 = vector.broadcast %sub3A_562 : i32 to vector<16xi32>
    %sub3A_564 = arith.subi %sub3A_38, %sub3A_563 : vector<16xi32>
    %add3A_565 = arith.addi %shift_left3A_561, %sub3A_564 : vector<16xi32>
    %max3A_566 = arith.maxsi %max3A_556, %add3A_565 : vector<16xi32>
    %get3A_567 = arith.constant 848 : index
    %get3A_568 = tpu.vector_load %arg6[%get3A_567] {strides = array<i32>} : memref<2048xi32, #tpu.memory_space<vmem>>, vector<16xi32>,
    %shift_left3A_569 = arith.constant 13 : i32
    %shift_left3A_570 = vector.broadcast %shift_left3A_569 : i32 to vector<16xi32>
    %shift_left3A_571 = arith.shli %get3A_568, %shift_left3A_570 : vector<16xi32>
    %sub3A_572 = arith.constant 848 : i32
    %sub3A_573 = vector.broadcast %sub3A_572 : i32 to vector<16xi32>
    %sub3A_574 = arith.subi %sub3A_38, %sub3A_573 : vector<16xi32>
    %add3A_575 = arith.addi %shift_left3A_571, %sub3A_574 : vector<16xi32>
    %max3A_576 = arith.maxsi %max3A_566, %add3A_575 : vector<16xi32>
    %get3A_577 = arith.constant 864 : index
    %get3A_578 = tpu.vector_load %arg6[%get3A_577] {strides = array<i32>} : memref<2048xi32, #tpu.memory_space<vmem>>, vector<16xi32>,
    %shift_left3A_579 = arith.constant 13 : i32
    %shift_left3A_580 = vector.broadcast %shift_left3A_579 : i32 to vector<16xi32>
    %shift_left3A_581 = arith.shli %get3A_578, %shift_left3A_580 : vector<16xi32>
    %sub3A_582 = arith.constant 864 : i32
    %sub3A_583 = vector.broadcast %sub3A_582 : i32 to vector<16xi32>
    %sub3A_584 = arith.subi %sub3A_38, %sub3A_583 : vector<16xi32>
    %add3A_585 = arith.addi %shift_left3A_581, %sub3A_584 : vector<16xi32>
    %max3A_586 = arith.maxsi %max3A_576, %add3A_585 : vector<16xi32>
    %get3A_587 = arith.constant 880 : index
    %get3A_588 = tpu.vector_load %arg6[%get3A_587] {strides = array<i32>} : memref<2048xi32, #tpu.memory_space<vmem>>, vector<16xi32>,
    %shift_left3A_589 = arith.constant 13 : i32
    %shift_left3A_590 = vector.broadcast %shift_left3A_589 : i32 to vector<16xi32>
    %shift_left3A_591 = arith.shli %get3A_588, %shift_left3A_590 : vector<16xi32>
    %sub3A_592 = arith.constant 880 : i32
    %sub3A_593 = vector.broadcast %sub3A_592 : i32 to vector<16xi32>
    %sub3A_594 = arith.subi %sub3A_38, %sub3A_593 : vector<16xi32>
    %add3A_595 = arith.addi %shift_left3A_591, %sub3A_594 : vector<16xi32>
    %max3A_596 = arith.maxsi %max3A_586, %add3A_595 : vector<16xi32>
    %get3A_597 = arith.constant 896 : index
    %get3A_598 = tpu.vector_load %arg6[%get3A_597] {strides = array<i32>} : memref<2048xi32, #tpu.memory_space<vmem>>, vector<16xi32>,
    %shift_left3A_599 = arith.constant 13 : i32
    %shift_left3A_600 = vector.broadcast %shift_left3A_599 : i32 to vector<16xi32>
    %shift_left3A_601 = arith.shli %get3A_598, %shift_left3A_600 : vector<16xi32>
    %sub3A_602 = arith.constant 896 : i32
    %sub3A_603 = vector.broadcast %sub3A_602 : i32 to vector<16xi32>
    %sub3A_604 = arith.subi %sub3A_38, %sub3A_603 : vector<16xi32>
    %add3A_605 = arith.addi %shift_left3A_601, %sub3A_604 : vector<16xi32>
    %max3A_606 = arith.maxsi %max3A_596, %add3A_605 : vector<16xi32>
    %get3A_607 = arith.constant 912 : index
    %get3A_608 = tpu.vector_load %arg6[%get3A_607] {strides = array<i32>} : memref<2048xi32, #tpu.memory_space<vmem>>, vector<16xi32>,
    %shift_left3A_609 = arith.constant 13 : i32
    %shift_left3A_610 = vector.broadcast %shift_left3A_609 : i32 to vector<16xi32>
    %shift_left3A_611 = arith.shli %get3A_608, %shift_left3A_610 : vector<16xi32>
    %sub3A_612 = arith.constant 912 : i32
    %sub3A_613 = vector.broadcast %sub3A_612 : i32 to vector<16xi32>
    %sub3A_614 = arith.subi %sub3A_38, %sub3A_613 : vector<16xi32>
    %add3A_615 = arith.addi %shift_left3A_611, %sub3A_614 : vector<16xi32>
    %max3A_616 = arith.maxsi %max3A_606, %add3A_615 : vector<16xi32>
    %get3A_617 = arith.constant 928 : index
    %get3A_618 = tpu.vector_load %arg6[%get3A_617] {strides = array<i32>} : memref<2048xi32, #tpu.memory_space<vmem>>, vector<16xi32>,
    %shift_left3A_619 = arith.constant 13 : i32
    %shift_left3A_620 = vector.broadcast %shift_left3A_619 : i32 to vector<16xi32>
    %shift_left3A_621 = arith.shli %get3A_618, %shift_left3A_620 : vector<16xi32>
    %sub3A_622 = arith.constant 928 : i32
    %sub3A_623 = vector.broadcast %sub3A_622 : i32 to vector<16xi32>
    %sub3A_624 = arith.subi %sub3A_38, %sub3A_623 : vector<16xi32>
    %add3A_625 = arith.addi %shift_left3A_621, %sub3A_624 : vector<16xi32>
    %max3A_626 = arith.maxsi %max3A_616, %add3A_625 : vector<16xi32>
    %get3A_627 = arith.constant 944 : index
    %get3A_628 = tpu.vector_load %arg6[%get3A_627] {strides = array<i32>} : memref<2048xi32, #tpu.memory_space<vmem>>, vector<16xi32>,
    %shift_left3A_629 = arith.constant 13 : i32
    %shift_left3A_630 = vector.broadcast %shift_left3A_629 : i32 to vector<16xi32>
    %shift_left3A_631 = arith.shli %get3A_628, %shift_left3A_630 : vector<16xi32>
    %sub3A_632 = arith.constant 944 : i32
    %sub3A_633 = vector.broadcast %sub3A_632 : i32 to vector<16xi32>
    %sub3A_634 = arith.subi %sub3A_38, %sub3A_633 : vector<16xi32>
    %add3A_635 = arith.addi %shift_left3A_631, %sub3A_634 : vector<16xi32>
    %max3A_636 = arith.maxsi %max3A_626, %add3A_635 : vector<16xi32>
    %get3A_637 = arith.constant 960 : index
    %get3A_638 = tpu.vector_load %arg6[%get3A_637] {strides = array<i32>} : memref<2048xi32, #tpu.memory_space<vmem>>, vector<16xi32>,
    %shift_left3A_639 = arith.constant 13 : i32
    %shift_left3A_640 = vector.broadcast %shift_left3A_639 : i32 to vector<16xi32>
    %shift_left3A_641 = arith.shli %get3A_638, %shift_left3A_640 : vector<16xi32>
    %sub3A_642 = arith.constant 960 : i32
    %sub3A_643 = vector.broadcast %sub3A_642 : i32 to vector<16xi32>
    %sub3A_644 = arith.subi %sub3A_38, %sub3A_643 : vector<16xi32>
    %add3A_645 = arith.addi %shift_left3A_641, %sub3A_644 : vector<16xi32>
    %max3A_646 = arith.maxsi %max3A_636, %add3A_645 : vector<16xi32>
    %get3A_647 = arith.constant 976 : index
    %get3A_648 = tpu.vector_load %arg6[%get3A_647] {strides = array<i32>} : memref<2048xi32, #tpu.memory_space<vmem>>, vector<16xi32>,
    %shift_left3A_649 = arith.constant 13 : i32
    %shift_left3A_650 = vector.broadcast %shift_left3A_649 : i32 to vector<16xi32>
    %shift_left3A_651 = arith.shli %get3A_648, %shift_left3A_650 : vector<16xi32>
    %sub3A_652 = arith.constant 976 : i32
    %sub3A_653 = vector.broadcast %sub3A_652 : i32 to vector<16xi32>
    %sub3A_654 = arith.subi %sub3A_38, %sub3A_653 : vector<16xi32>
    %add3A_655 = arith.addi %shift_left3A_651, %sub3A_654 : vector<16xi32>
    %max3A_656 = arith.maxsi %max3A_646, %add3A_655 : vector<16xi32>
    %get3A_657 = arith.constant 992 : index
    %get3A_658 = tpu.vector_load %arg6[%get3A_657] {strides = array<i32>} : memref<2048xi32, #tpu.memory_space<vmem>>, vector<16xi32>,
    %shift_left3A_659 = arith.constant 13 : i32
    %shift_left3A_660 = vector.broadcast %shift_left3A_659 : i32 to vector<16xi32>
    %shift_left3A_661 = arith.shli %get3A_658, %shift_left3A_660 : vector<16xi32>
    %sub3A_662 = arith.constant 992 : i32
    %sub3A_663 = vector.broadcast %sub3A_662 : i32 to vector<16xi32>
    %sub3A_664 = arith.subi %sub3A_38, %sub3A_663 : vector<16xi32>
    %add3A_665 = arith.addi %shift_left3A_661, %sub3A_664 : vector<16xi32>
    %max3A_666 = arith.maxsi %max3A_656, %add3A_665 : vector<16xi32>
    %get3A_667 = arith.constant 1008 : index
    %get3A_668 = tpu.vector_load %arg6[%get3A_667] {strides = array<i32>} : memref<2048xi32, #tpu.memory_space<vmem>>, vector<16xi32>,
    %shift_left3A_669 = arith.constant 13 : i32
    %shift_left3A_670 = vector.broadcast %shift_left3A_669 : i32 to vector<16xi32>
    %shift_left3A_671 = arith.shli %get3A_668, %shift_left3A_670 : vector<16xi32>
    %sub3A_672 = arith.constant 1008 : i32
    %sub3A_673 = vector.broadcast %sub3A_672 : i32 to vector<16xi32>
    %sub3A_674 = arith.subi %sub3A_38, %sub3A_673 : vector<16xi32>
    %add3A_675 = arith.addi %shift_left3A_671, %sub3A_674 : vector<16xi32>
    %max3A_676 = arith.maxsi %max3A_666, %add3A_675 : vector<16xi32>
    %get3A_677 = arith.constant 1024 : index
    %get3A_678 = tpu.vector_load %arg6[%get3A_677] {strides = array<i32>} : memref<2048xi32, #tpu.memory_space<vmem>>, vector<16xi32>,
    %shift_left3A_679 = arith.constant 13 : i32
    %shift_left3A_680 = vector.broadcast %shift_left3A_679 : i32 to vector<16xi32>
    %shift_left3A_681 = arith.shli %get3A_678, %shift_left3A_680 : vector<16xi32>
    %sub3A_682 = arith.constant 1024 : i32
    %sub3A_683 = vector.broadcast %sub3A_682 : i32 to vector<16xi32>
    %sub3A_684 = arith.subi %sub3A_38, %sub3A_683 : vector<16xi32>
    %add3A_685 = arith.addi %shift_left3A_681, %sub3A_684 : vector<16xi32>
    %max3A_686 = arith.maxsi %max3A_676, %add3A_685 : vector<16xi32>
    %get3A_687 = arith.constant 1040 : index
    %get3A_688 = tpu.vector_load %arg6[%get3A_687] {strides = array<i32>} : memref<2048xi32, #tpu.memory_space<vmem>>, vector<16xi32>,
    %shift_left3A_689 = arith.constant 13 : i32
    %shift_left3A_690 = vector.broadcast %shift_left3A_689 : i32 to vector<16xi32>
    %shift_left3A_691 = arith.shli %get3A_688, %shift_left3A_690 : vector<16xi32>
    %sub3A_692 = arith.constant 1040 : i32
    %sub3A_693 = vector.broadcast %sub3A_692 : i32 to vector<16xi32>
    %sub3A_694 = arith.subi %sub3A_38, %sub3A_693 : vector<16xi32>
    %add3A_695 = arith.addi %shift_left3A_691, %sub3A_694 : vector<16xi32>
    %max3A_696 = arith.maxsi %max3A_686, %add3A_695 : vector<16xi32>
    %get3A_697 = arith.constant 1056 : index
    %get3A_698 = tpu.vector_load %arg6[%get3A_697] {strides = array<i32>} : memref<2048xi32, #tpu.memory_space<vmem>>, vector<16xi32>,
    %shift_left3A_699 = arith.constant 13 : i32
    %shift_left3A_700 = vector.broadcast %shift_left3A_699 : i32 to vector<16xi32>
    %shift_left3A_701 = arith.shli %get3A_698, %shift_left3A_700 : vector<16xi32>
    %sub3A_702 = arith.constant 1056 : i32
    %sub3A_703 = vector.broadcast %sub3A_702 : i32 to vector<16xi32>
    %sub3A_704 = arith.subi %sub3A_38, %sub3A_703 : vector<16xi32>
    %add3A_705 = arith.addi %shift_left3A_701, %sub3A_704 : vector<16xi32>
    %max3A_706 = arith.maxsi %max3A_696, %add3A_705 : vector<16xi32>
    %get3A_707 = arith.constant 1072 : index
    %get3A_708 = tpu.vector_load %arg6[%get3A_707] {strides = array<i32>} : memref<2048xi32, #tpu.memory_space<vmem>>, vector<16xi32>,
    %shift_left3A_709 = arith.constant 13 : i32
    %shift_left3A_710 = vector.broadcast %shift_left3A_709 : i32 to vector<16xi32>
    %shift_left3A_711 = arith.shli %get3A_708, %shift_left3A_710 : vector<16xi32>
    %sub3A_712 = arith.constant 1072 : i32
    %sub3A_713 = vector.broadcast %sub3A_712 : i32 to vector<16xi32>
    %sub3A_714 = arith.subi %sub3A_38, %sub3A_713 : vector<16xi32>
    %add3A_715 = arith.addi %shift_left3A_711, %sub3A_714 : vector<16xi32>
    %max3A_716 = arith.maxsi %max3A_706, %add3A_715 : vector<16xi32>
    %get3A_717 = arith.constant 1088 : index
    %get3A_718 = tpu.vector_load %arg6[%get3A_717] {strides = array<i32>} : memref<2048xi32, #tpu.memory_space<vmem>>, vector<16xi32>,
    %shift_left3A_719 = arith.constant 13 : i32
    %shift_left3A_720 = vector.broadcast %shift_left3A_719 : i32 to vector<16xi32>
    %shift_left3A_721 = arith.shli %get3A_718, %shift_left3A_720 : vector<16xi32>
    %sub3A_722 = arith.constant 1088 : i32
    %sub3A_723 = vector.broadcast %sub3A_722 : i32 to vector<16xi32>
    %sub3A_724 = arith.subi %sub3A_38, %sub3A_723 : vector<16xi32>
    %add3A_725 = arith.addi %shift_left3A_721, %sub3A_724 : vector<16xi32>
    %max3A_726 = arith.maxsi %max3A_716, %add3A_725 : vector<16xi32>
    %get3A_727 = arith.constant 1104 : index
    %get3A_728 = tpu.vector_load %arg6[%get3A_727] {strides = array<i32>} : memref<2048xi32, #tpu.memory_space<vmem>>, vector<16xi32>,
    %shift_left3A_729 = arith.constant 13 : i32
    %shift_left3A_730 = vector.broadcast %shift_left3A_729 : i32 to vector<16xi32>
    %shift_left3A_731 = arith.shli %get3A_728, %shift_left3A_730 : vector<16xi32>
    %sub3A_732 = arith.constant 1104 : i32
    %sub3A_733 = vector.broadcast %sub3A_732 : i32 to vector<16xi32>
    %sub3A_734 = arith.subi %sub3A_38, %sub3A_733 : vector<16xi32>
    %add3A_735 = arith.addi %shift_left3A_731, %sub3A_734 : vector<16xi32>
    %max3A_736 = arith.maxsi %max3A_726, %add3A_735 : vector<16xi32>
    %get3A_737 = arith.constant 1120 : index
    %get3A_738 = tpu.vector_load %arg6[%get3A_737] {strides = array<i32>} : memref<2048xi32, #tpu.memory_space<vmem>>, vector<16xi32>,
    %shift_left3A_739 = arith.constant 13 : i32
    %shift_left3A_740 = vector.broadcast %shift_left3A_739 : i32 to vector<16xi32>
    %shift_left3A_741 = arith.shli %get3A_738, %shift_left3A_740 : vector<16xi32>
    %sub3A_742 = arith.constant 1120 : i32
    %sub3A_743 = vector.broadcast %sub3A_742 : i32 to vector<16xi32>
    %sub3A_744 = arith.subi %sub3A_38, %sub3A_743 : vector<16xi32>
    %add3A_745 = arith.addi %shift_left3A_741, %sub3A_744 : vector<16xi32>
    %max3A_746 = arith.maxsi %max3A_736, %add3A_745 : vector<16xi32>
    %get3A_747 = arith.constant 1136 : index
    %get3A_748 = tpu.vector_load %arg6[%get3A_747] {strides = array<i32>} : memref<2048xi32, #tpu.memory_space<vmem>>, vector<16xi32>,
    %shift_left3A_749 = arith.constant 13 : i32
    %shift_left3A_750 = vector.broadcast %shift_left3A_749 : i32 to vector<16xi32>
    %shift_left3A_751 = arith.shli %get3A_748, %shift_left3A_750 : vector<16xi32>
    %sub3A_752 = arith.constant 1136 : i32
    %sub3A_753 = vector.broadcast %sub3A_752 : i32 to vector<16xi32>
    %sub3A_754 = arith.subi %sub3A_38, %sub3A_753 : vector<16xi32>
    %add3A_755 = arith.addi %shift_left3A_751, %sub3A_754 : vector<16xi32>
    %max3A_756 = arith.maxsi %max3A_746, %add3A_755 : vector<16xi32>
    %get3A_757 = arith.constant 1152 : index
    %get3A_758 = tpu.vector_load %arg6[%get3A_757] {strides = array<i32>} : memref<2048xi32, #tpu.memory_space<vmem>>, vector<16xi32>,
    %shift_left3A_759 = arith.constant 13 : i32
    %shift_left3A_760 = vector.broadcast %shift_left3A_759 : i32 to vector<16xi32>
    %shift_left3A_761 = arith.shli %get3A_758, %shift_left3A_760 : vector<16xi32>
    %sub3A_762 = arith.constant 1152 : i32
    %sub3A_763 = vector.broadcast %sub3A_762 : i32 to vector<16xi32>
    %sub3A_764 = arith.subi %sub3A_38, %sub3A_763 : vector<16xi32>
    %add3A_765 = arith.addi %shift_left3A_761, %sub3A_764 : vector<16xi32>
    %max3A_766 = arith.maxsi %max3A_756, %add3A_765 : vector<16xi32>
    %get3A_767 = arith.constant 1168 : index
    %get3A_768 = tpu.vector_load %arg6[%get3A_767] {strides = array<i32>} : memref<2048xi32, #tpu.memory_space<vmem>>, vector<16xi32>,
    %shift_left3A_769 = arith.constant 13 : i32
    %shift_left3A_770 = vector.broadcast %shift_left3A_769 : i32 to vector<16xi32>
    %shift_left3A_771 = arith.shli %get3A_768, %shift_left3A_770 : vector<16xi32>
    %sub3A_772 = arith.constant 1168 : i32
    %sub3A_773 = vector.broadcast %sub3A_772 : i32 to vector<16xi32>
    %sub3A_774 = arith.subi %sub3A_38, %sub3A_773 : vector<16xi32>
    %add3A_775 = arith.addi %shift_left3A_771, %sub3A_774 : vector<16xi32>
    %max3A_776 = arith.maxsi %max3A_766, %add3A_775 : vector<16xi32>
    %get3A_777 = arith.constant 1184 : index
    %get3A_778 = tpu.vector_load %arg6[%get3A_777] {strides = array<i32>} : memref<2048xi32, #tpu.memory_space<vmem>>, vector<16xi32>,
    %shift_left3A_779 = arith.constant 13 : i32
    %shift_left3A_780 = vector.broadcast %shift_left3A_779 : i32 to vector<16xi32>
    %shift_left3A_781 = arith.shli %get3A_778, %shift_left3A_780 : vector<16xi32>
    %sub3A_782 = arith.constant 1184 : i32
    %sub3A_783 = vector.broadcast %sub3A_782 : i32 to vector<16xi32>
    %sub3A_784 = arith.subi %sub3A_38, %sub3A_783 : vector<16xi32>
    %add3A_785 = arith.addi %shift_left3A_781, %sub3A_784 : vector<16xi32>
    %max3A_786 = arith.maxsi %max3A_776, %add3A_785 : vector<16xi32>
    %get3A_787 = arith.constant 1200 : index
    %get3A_788 = tpu.vector_load %arg6[%get3A_787] {strides = array<i32>} : memref<2048xi32, #tpu.memory_space<vmem>>, vector<16xi32>,
    %shift_left3A_789 = arith.constant 13 : i32
    %shift_left3A_790 = vector.broadcast %shift_left3A_789 : i32 to vector<16xi32>
    %shift_left3A_791 = arith.shli %get3A_788, %shift_left3A_790 : vector<16xi32>
    %sub3A_792 = arith.constant 1200 : i32
    %sub3A_793 = vector.broadcast %sub3A_792 : i32 to vector<16xi32>
    %sub3A_794 = arith.subi %sub3A_38, %sub3A_793 : vector<16xi32>
    %add3A_795 = arith.addi %shift_left3A_791, %sub3A_794 : vector<16xi32>
    %max3A_796 = arith.maxsi %max3A_786, %add3A_795 : vector<16xi32>
    %get3A_797 = arith.constant 1216 : index
    %get3A_798 = tpu.vector_load %arg6[%get3A_797] {strides = array<i32>} : memref<2048xi32, #tpu.memory_space<vmem>>, vector<16xi32>,
    %shift_left3A_799 = arith.constant 13 : i32
    %shift_left3A_800 = vector.broadcast %shift_left3A_799 : i32 to vector<16xi32>
    %shift_left3A_801 = arith.shli %get3A_798, %shift_left3A_800 : vector<16xi32>
    %sub3A_802 = arith.constant 1216 : i32
    %sub3A_803 = vector.broadcast %sub3A_802 : i32 to vector<16xi32>
    %sub3A_804 = arith.subi %sub3A_38, %sub3A_803 : vector<16xi32>
    %add3A_805 = arith.addi %shift_left3A_801, %sub3A_804 : vector<16xi32>
    %max3A_806 = arith.maxsi %max3A_796, %add3A_805 : vector<16xi32>
    %get3A_807 = arith.constant 1232 : index
    %get3A_808 = tpu.vector_load %arg6[%get3A_807] {strides = array<i32>} : memref<2048xi32, #tpu.memory_space<vmem>>, vector<16xi32>,
    %shift_left3A_809 = arith.constant 13 : i32
    %shift_left3A_810 = vector.broadcast %shift_left3A_809 : i32 to vector<16xi32>
    %shift_left3A_811 = arith.shli %get3A_808, %shift_left3A_810 : vector<16xi32>
    %sub3A_812 = arith.constant 1232 : i32
    %sub3A_813 = vector.broadcast %sub3A_812 : i32 to vector<16xi32>
    %sub3A_814 = arith.subi %sub3A_38, %sub3A_813 : vector<16xi32>
    %add3A_815 = arith.addi %shift_left3A_811, %sub3A_814 : vector<16xi32>
    %max3A_816 = arith.maxsi %max3A_806, %add3A_815 : vector<16xi32>
    %get3A_817 = arith.constant 1248 : index
    %get3A_818 = tpu.vector_load %arg6[%get3A_817] {strides = array<i32>} : memref<2048xi32, #tpu.memory_space<vmem>>, vector<16xi32>,
    %shift_left3A_819 = arith.constant 13 : i32
    %shift_left3A_820 = vector.broadcast %shift_left3A_819 : i32 to vector<16xi32>
    %shift_left3A_821 = arith.shli %get3A_818, %shift_left3A_820 : vector<16xi32>
    %sub3A_822 = arith.constant 1248 : i32
    %sub3A_823 = vector.broadcast %sub3A_822 : i32 to vector<16xi32>
    %sub3A_824 = arith.subi %sub3A_38, %sub3A_823 : vector<16xi32>
    %add3A_825 = arith.addi %shift_left3A_821, %sub3A_824 : vector<16xi32>
    %max3A_826 = arith.maxsi %max3A_816, %add3A_825 : vector<16xi32>
    %get3A_827 = arith.constant 1264 : index
    %get3A_828 = tpu.vector_load %arg6[%get3A_827] {strides = array<i32>} : memref<2048xi32, #tpu.memory_space<vmem>>, vector<16xi32>,
    %shift_left3A_829 = arith.constant 13 : i32
    %shift_left3A_830 = vector.broadcast %shift_left3A_829 : i32 to vector<16xi32>
    %shift_left3A_831 = arith.shli %get3A_828, %shift_left3A_830 : vector<16xi32>
    %sub3A_832 = arith.constant 1264 : i32
    %sub3A_833 = vector.broadcast %sub3A_832 : i32 to vector<16xi32>
    %sub3A_834 = arith.subi %sub3A_38, %sub3A_833 : vector<16xi32>
    %add3A_835 = arith.addi %shift_left3A_831, %sub3A_834 : vector<16xi32>
    %max3A_836 = arith.maxsi %max3A_826, %add3A_835 : vector<16xi32>
    %get3A_837 = arith.constant 1280 : index
    %get3A_838 = tpu.vector_load %arg6[%get3A_837] {strides = array<i32>} : memref<2048xi32, #tpu.memory_space<vmem>>, vector<16xi32>,
    %shift_left3A_839 = arith.constant 13 : i32
    %shift_left3A_840 = vector.broadcast %shift_left3A_839 : i32 to vector<16xi32>
    %shift_left3A_841 = arith.shli %get3A_838, %shift_left3A_840 : vector<16xi32>
    %sub3A_842 = arith.constant 1280 : i32
    %sub3A_843 = vector.broadcast %sub3A_842 : i32 to vector<16xi32>
    %sub3A_844 = arith.subi %sub3A_38, %sub3A_843 : vector<16xi32>
    %add3A_845 = arith.addi %shift_left3A_841, %sub3A_844 : vector<16xi32>
    %max3A_846 = arith.maxsi %max3A_836, %add3A_845 : vector<16xi32>
    %get3A_847 = arith.constant 1296 : index
    %get3A_848 = tpu.vector_load %arg6[%get3A_847] {strides = array<i32>} : memref<2048xi32, #tpu.memory_space<vmem>>, vector<16xi32>,
    %shift_left3A_849 = arith.constant 13 : i32
    %shift_left3A_850 = vector.broadcast %shift_left3A_849 : i32 to vector<16xi32>
    %shift_left3A_851 = arith.shli %get3A_848, %shift_left3A_850 : vector<16xi32>
    %sub3A_852 = arith.constant 1296 : i32
    %sub3A_853 = vector.broadcast %sub3A_852 : i32 to vector<16xi32>
    %sub3A_854 = arith.subi %sub3A_38, %sub3A_853 : vector<16xi32>
    %add3A_855 = arith.addi %shift_left3A_851, %sub3A_854 : vector<16xi32>
    %max3A_856 = arith.maxsi %max3A_846, %add3A_855 : vector<16xi32>
    %get3A_857 = arith.constant 1312 : index
    %get3A_858 = tpu.vector_load %arg6[%get3A_857] {strides = array<i32>} : memref<2048xi32, #tpu.memory_space<vmem>>, vector<16xi32>,
    %shift_left3A_859 = arith.constant 13 : i32
    %shift_left3A_860 = vector.broadcast %shift_left3A_859 : i32 to vector<16xi32>
    %shift_left3A_861 = arith.shli %get3A_858, %shift_left3A_860 : vector<16xi32>
    %sub3A_862 = arith.constant 1312 : i32
    %sub3A_863 = vector.broadcast %sub3A_862 : i32 to vector<16xi32>
    %sub3A_864 = arith.subi %sub3A_38, %sub3A_863 : vector<16xi32>
    %add3A_865 = arith.addi %shift_left3A_861, %sub3A_864 : vector<16xi32>
    %max3A_866 = arith.maxsi %max3A_856, %add3A_865 : vector<16xi32>
    %get3A_867 = arith.constant 1328 : index
    %get3A_868 = tpu.vector_load %arg6[%get3A_867] {strides = array<i32>} : memref<2048xi32, #tpu.memory_space<vmem>>, vector<16xi32>,
    %shift_left3A_869 = arith.constant 13 : i32
    %shift_left3A_870 = vector.broadcast %shift_left3A_869 : i32 to vector<16xi32>
    %shift_left3A_871 = arith.shli %get3A_868, %shift_left3A_870 : vector<16xi32>
    %sub3A_872 = arith.constant 1328 : i32
    %sub3A_873 = vector.broadcast %sub3A_872 : i32 to vector<16xi32>
    %sub3A_874 = arith.subi %sub3A_38, %sub3A_873 : vector<16xi32>
    %add3A_875 = arith.addi %shift_left3A_871, %sub3A_874 : vector<16xi32>
    %max3A_876 = arith.maxsi %max3A_866, %add3A_875 : vector<16xi32>
    %get3A_877 = arith.constant 1344 : index
    %get3A_878 = tpu.vector_load %arg6[%get3A_877] {strides = array<i32>} : memref<2048xi32, #tpu.memory_space<vmem>>, vector<16xi32>,
    %shift_left3A_879 = arith.constant 13 : i32
    %shift_left3A_880 = vector.broadcast %shift_left3A_879 : i32 to vector<16xi32>
    %shift_left3A_881 = arith.shli %get3A_878, %shift_left3A_880 : vector<16xi32>
    %sub3A_882 = arith.constant 1344 : i32
    %sub3A_883 = vector.broadcast %sub3A_882 : i32 to vector<16xi32>
    %sub3A_884 = arith.subi %sub3A_38, %sub3A_883 : vector<16xi32>
    %add3A_885 = arith.addi %shift_left3A_881, %sub3A_884 : vector<16xi32>
    %max3A_886 = arith.maxsi %max3A_876, %add3A_885 : vector<16xi32>
    %get3A_887 = arith.constant 1360 : index
    %get3A_888 = tpu.vector_load %arg6[%get3A_887] {strides = array<i32>} : memref<2048xi32, #tpu.memory_space<vmem>>, vector<16xi32>,
    %shift_left3A_889 = arith.constant 13 : i32
    %shift_left3A_890 = vector.broadcast %shift_left3A_889 : i32 to vector<16xi32>
    %shift_left3A_891 = arith.shli %get3A_888, %shift_left3A_890 : vector<16xi32>
    %sub3A_892 = arith.constant 1360 : i32
    %sub3A_893 = vector.broadcast %sub3A_892 : i32 to vector<16xi32>
    %sub3A_894 = arith.subi %sub3A_38, %sub3A_893 : vector<16xi32>
    %add3A_895 = arith.addi %shift_left3A_891, %sub3A_894 : vector<16xi32>
    %max3A_896 = arith.maxsi %max3A_886, %add3A_895 : vector<16xi32>
    %get3A_897 = arith.constant 1376 : index
    %get3A_898 = tpu.vector_load %arg6[%get3A_897] {strides = array<i32>} : memref<2048xi32, #tpu.memory_space<vmem>>, vector<16xi32>,
    %shift_left3A_899 = arith.constant 13 : i32
    %shift_left3A_900 = vector.broadcast %shift_left3A_899 : i32 to vector<16xi32>
    %shift_left3A_901 = arith.shli %get3A_898, %shift_left3A_900 : vector<16xi32>
    %sub3A_902 = arith.constant 1376 : i32
    %sub3A_903 = vector.broadcast %sub3A_902 : i32 to vector<16xi32>
    %sub3A_904 = arith.subi %sub3A_38, %sub3A_903 : vector<16xi32>
    %add3A_905 = arith.addi %shift_left3A_901, %sub3A_904 : vector<16xi32>
    %max3A_906 = arith.maxsi %max3A_896, %add3A_905 : vector<16xi32>
    %get3A_907 = arith.constant 1392 : index
    %get3A_908 = tpu.vector_load %arg6[%get3A_907] {strides = array<i32>} : memref<2048xi32, #tpu.memory_space<vmem>>, vector<16xi32>,
    %shift_left3A_909 = arith.constant 13 : i32
    %shift_left3A_910 = vector.broadcast %shift_left3A_909 : i32 to vector<16xi32>
    %shift_left3A_911 = arith.shli %get3A_908, %shift_left3A_910 : vector<16xi32>
    %sub3A_912 = arith.constant 1392 : i32
    %sub3A_913 = vector.broadcast %sub3A_912 : i32 to vector<16xi32>
    %sub3A_914 = arith.subi %sub3A_38, %sub3A_913 : vector<16xi32>
    %add3A_915 = arith.addi %shift_left3A_911, %sub3A_914 : vector<16xi32>
    %max3A_916 = arith.maxsi %max3A_906, %add3A_915 : vector<16xi32>
    %get3A_917 = arith.constant 1408 : index
    %get3A_918 = tpu.vector_load %arg6[%get3A_917] {strides = array<i32>} : memref<2048xi32, #tpu.memory_space<vmem>>, vector<16xi32>,
    %shift_left3A_919 = arith.constant 13 : i32
    %shift_left3A_920 = vector.broadcast %shift_left3A_919 : i32 to vector<16xi32>
    %shift_left3A_921 = arith.shli %get3A_918, %shift_left3A_920 : vector<16xi32>
    %sub3A_922 = arith.constant 1408 : i32
    %sub3A_923 = vector.broadcast %sub3A_922 : i32 to vector<16xi32>
    %sub3A_924 = arith.subi %sub3A_38, %sub3A_923 : vector<16xi32>
    %add3A_925 = arith.addi %shift_left3A_921, %sub3A_924 : vector<16xi32>
    %max3A_926 = arith.maxsi %max3A_916, %add3A_925 : vector<16xi32>
    %get3A_927 = arith.constant 1424 : index
    %get3A_928 = tpu.vector_load %arg6[%get3A_927] {strides = array<i32>} : memref<2048xi32, #tpu.memory_space<vmem>>, vector<16xi32>,
    %shift_left3A_929 = arith.constant 13 : i32
    %shift_left3A_930 = vector.broadcast %shift_left3A_929 : i32 to vector<16xi32>
    %shift_left3A_931 = arith.shli %get3A_928, %shift_left3A_930 : vector<16xi32>
    %sub3A_932 = arith.constant 1424 : i32
    %sub3A_933 = vector.broadcast %sub3A_932 : i32 to vector<16xi32>
    %sub3A_934 = arith.subi %sub3A_38, %sub3A_933 : vector<16xi32>
    %add3A_935 = arith.addi %shift_left3A_931, %sub3A_934 : vector<16xi32>
    %max3A_936 = arith.maxsi %max3A_926, %add3A_935 : vector<16xi32>
    %get3A_937 = arith.constant 1440 : index
    %get3A_938 = tpu.vector_load %arg6[%get3A_937] {strides = array<i32>} : memref<2048xi32, #tpu.memory_space<vmem>>, vector<16xi32>,
    %shift_left3A_939 = arith.constant 13 : i32
    %shift_left3A_940 = vector.broadcast %shift_left3A_939 : i32 to vector<16xi32>
    %shift_left3A_941 = arith.shli %get3A_938, %shift_left3A_940 : vector<16xi32>
    %sub3A_942 = arith.constant 1440 : i32
    %sub3A_943 = vector.broadcast %sub3A_942 : i32 to vector<16xi32>
    %sub3A_944 = arith.subi %sub3A_38, %sub3A_943 : vector<16xi32>
    %add3A_945 = arith.addi %shift_left3A_941, %sub3A_944 : vector<16xi32>
    %max3A_946 = arith.maxsi %max3A_936, %add3A_945 : vector<16xi32>
    %get3A_947 = arith.constant 1456 : index
    %get3A_948 = tpu.vector_load %arg6[%get3A_947] {strides = array<i32>} : memref<2048xi32, #tpu.memory_space<vmem>>, vector<16xi32>,
    %shift_left3A_949 = arith.constant 13 : i32
    %shift_left3A_950 = vector.broadcast %shift_left3A_949 : i32 to vector<16xi32>
    %shift_left3A_951 = arith.shli %get3A_948, %shift_left3A_950 : vector<16xi32>
    %sub3A_952 = arith.constant 1456 : i32
    %sub3A_953 = vector.broadcast %sub3A_952 : i32 to vector<16xi32>
    %sub3A_954 = arith.subi %sub3A_38, %sub3A_953 : vector<16xi32>
    %add3A_955 = arith.addi %shift_left3A_951, %sub3A_954 : vector<16xi32>
    %max3A_956 = arith.maxsi %max3A_946, %add3A_955 : vector<16xi32>
    %get3A_957 = arith.constant 1472 : index
    %get3A_958 = tpu.vector_load %arg6[%get3A_957] {strides = array<i32>} : memref<2048xi32, #tpu.memory_space<vmem>>, vector<16xi32>,
    %shift_left3A_959 = arith.constant 13 : i32
    %shift_left3A_960 = vector.broadcast %shift_left3A_959 : i32 to vector<16xi32>
    %shift_left3A_961 = arith.shli %get3A_958, %shift_left3A_960 : vector<16xi32>
    %sub3A_962 = arith.constant 1472 : i32
    %sub3A_963 = vector.broadcast %sub3A_962 : i32 to vector<16xi32>
    %sub3A_964 = arith.subi %sub3A_38, %sub3A_963 : vector<16xi32>
    %add3A_965 = arith.addi %shift_left3A_961, %sub3A_964 : vector<16xi32>
    %max3A_966 = arith.maxsi %max3A_956, %add3A_965 : vector<16xi32>
    %get3A_967 = arith.constant 1488 : index
    %get3A_968 = tpu.vector_load %arg6[%get3A_967] {strides = array<i32>} : memref<2048xi32, #tpu.memory_space<vmem>>, vector<16xi32>,
    %shift_left3A_969 = arith.constant 13 : i32
    %shift_left3A_970 = vector.broadcast %shift_left3A_969 : i32 to vector<16xi32>
    %shift_left3A_971 = arith.shli %get3A_968, %shift_left3A_970 : vector<16xi32>
    %sub3A_972 = arith.constant 1488 : i32
    %sub3A_973 = vector.broadcast %sub3A_972 : i32 to vector<16xi32>
    %sub3A_974 = arith.subi %sub3A_38, %sub3A_973 : vector<16xi32>
    %add3A_975 = arith.addi %shift_left3A_971, %sub3A_974 : vector<16xi32>
    %max3A_976 = arith.maxsi %max3A_966, %add3A_975 : vector<16xi32>
    %get3A_977 = arith.constant 1504 : index
    %get3A_978 = tpu.vector_load %arg6[%get3A_977] {strides = array<i32>} : memref<2048xi32, #tpu.memory_space<vmem>>, vector<16xi32>,
    %shift_left3A_979 = arith.constant 13 : i32
    %shift_left3A_980 = vector.broadcast %shift_left3A_979 : i32 to vector<16xi32>
    %shift_left3A_981 = arith.shli %get3A_978, %shift_left3A_980 : vector<16xi32>
    %sub3A_982 = arith.constant 1504 : i32
    %sub3A_983 = vector.broadcast %sub3A_982 : i32 to vector<16xi32>
    %sub3A_984 = arith.subi %sub3A_38, %sub3A_983 : vector<16xi32>
    %add3A_985 = arith.addi %shift_left3A_981, %sub3A_984 : vector<16xi32>
    %max3A_986 = arith.maxsi %max3A_976, %add3A_985 : vector<16xi32>
    %get3A_987 = arith.constant 1520 : index
    %get3A_988 = tpu.vector_load %arg6[%get3A_987] {strides = array<i32>} : memref<2048xi32, #tpu.memory_space<vmem>>, vector<16xi32>,
    %shift_left3A_989 = arith.constant 13 : i32
    %shift_left3A_990 = vector.broadcast %shift_left3A_989 : i32 to vector<16xi32>
    %shift_left3A_991 = arith.shli %get3A_988, %shift_left3A_990 : vector<16xi32>
    %sub3A_992 = arith.constant 1520 : i32
    %sub3A_993 = vector.broadcast %sub3A_992 : i32 to vector<16xi32>
    %sub3A_994 = arith.subi %sub3A_38, %sub3A_993 : vector<16xi32>
    %add3A_995 = arith.addi %shift_left3A_991, %sub3A_994 : vector<16xi32>
    %max3A_996 = arith.maxsi %max3A_986, %add3A_995 : vector<16xi32>
    %get3A_997 = arith.constant 1536 : index
    %get3A_998 = tpu.vector_load %arg6[%get3A_997] {strides = array<i32>} : memref<2048xi32, #tpu.memory_space<vmem>>, vector<16xi32>,
    %shift_left3A_999 = arith.constant 13 : i32
    %shift_left3A_1000 = vector.broadcast %shift_left3A_999 : i32 to vector<16xi32>
    %shift_left3A_1001 = arith.shli %get3A_998, %shift_left3A_1000 : vector<16xi32>
    %sub3A_1002 = arith.constant 1536 : i32
    %sub3A_1003 = vector.broadcast %sub3A_1002 : i32 to vector<16xi32>
    %sub3A_1004 = arith.subi %sub3A_38, %sub3A_1003 : vector<16xi32>
    %add3A_1005 = arith.addi %shift_left3A_1001, %sub3A_1004 : vector<16xi32>
    %max3A_1006 = arith.maxsi %max3A_996, %add3A_1005 : vector<16xi32>
    %get3A_1007 = arith.constant 1552 : index
    %get3A_1008 = tpu.vector_load %arg6[%get3A_1007] {strides = array<i32>} : memref<2048xi32, #tpu.memory_space<vmem>>, vector<16xi32>,
    %shift_left3A_1009 = arith.constant 13 : i32
    %shift_left3A_1010 = vector.broadcast %shift_left3A_1009 : i32 to vector<16xi32>
    %shift_left3A_1011 = arith.shli %get3A_1008, %shift_left3A_1010 : vector<16xi32>
    %sub3A_1012 = arith.constant 1552 : i32
    %sub3A_1013 = vector.broadcast %sub3A_1012 : i32 to vector<16xi32>
    %sub3A_1014 = arith.subi %sub3A_38, %sub3A_1013 : vector<16xi32>
    %add3A_1015 = arith.addi %shift_left3A_1011, %sub3A_1014 : vector<16xi32>
    %max3A_1016 = arith.maxsi %max3A_1006, %add3A_1015 : vector<16xi32>
    %get3A_1017 = arith.constant 1568 : index
    %get3A_1018 = tpu.vector_load %arg6[%get3A_1017] {strides = array<i32>} : memref<2048xi32, #tpu.memory_space<vmem>>, vector<16xi32>,
    %shift_left3A_1019 = arith.constant 13 : i32
    %shift_left3A_1020 = vector.broadcast %shift_left3A_1019 : i32 to vector<16xi32>
    %shift_left3A_1021 = arith.shli %get3A_1018, %shift_left3A_1020 : vector<16xi32>
    %sub3A_1022 = arith.constant 1568 : i32
    %sub3A_1023 = vector.broadcast %sub3A_1022 : i32 to vector<16xi32>
    %sub3A_1024 = arith.subi %sub3A_38, %sub3A_1023 : vector<16xi32>
    %add3A_1025 = arith.addi %shift_left3A_1021, %sub3A_1024 : vector<16xi32>
    %max3A_1026 = arith.maxsi %max3A_1016, %add3A_1025 : vector<16xi32>
    %get3A_1027 = arith.constant 1584 : index
    %get3A_1028 = tpu.vector_load %arg6[%get3A_1027] {strides = array<i32>} : memref<2048xi32, #tpu.memory_space<vmem>>, vector<16xi32>,
    %shift_left3A_1029 = arith.constant 13 : i32
    %shift_left3A_1030 = vector.broadcast %shift_left3A_1029 : i32 to vector<16xi32>
    %shift_left3A_1031 = arith.shli %get3A_1028, %shift_left3A_1030 : vector<16xi32>
    %sub3A_1032 = arith.constant 1584 : i32
    %sub3A_1033 = vector.broadcast %sub3A_1032 : i32 to vector<16xi32>
    %sub3A_1034 = arith.subi %sub3A_38, %sub3A_1033 : vector<16xi32>
    %add3A_1035 = arith.addi %shift_left3A_1031, %sub3A_1034 : vector<16xi32>
    %max3A_1036 = arith.maxsi %max3A_1026, %add3A_1035 : vector<16xi32>
    %get3A_1037 = arith.constant 1600 : index
    %get3A_1038 = tpu.vector_load %arg6[%get3A_1037] {strides = array<i32>} : memref<2048xi32, #tpu.memory_space<vmem>>, vector<16xi32>,
    %shift_left3A_1039 = arith.constant 13 : i32
    %shift_left3A_1040 = vector.broadcast %shift_left3A_1039 : i32 to vector<16xi32>
    %shift_left3A_1041 = arith.shli %get3A_1038, %shift_left3A_1040 : vector<16xi32>
    %sub3A_1042 = arith.constant 1600 : i32
    %sub3A_1043 = vector.broadcast %sub3A_1042 : i32 to vector<16xi32>
    %sub3A_1044 = arith.subi %sub3A_38, %sub3A_1043 : vector<16xi32>
    %add3A_1045 = arith.addi %shift_left3A_1041, %sub3A_1044 : vector<16xi32>
    %max3A_1046 = arith.maxsi %max3A_1036, %add3A_1045 : vector<16xi32>
    %get3A_1047 = arith.constant 1616 : index
    %get3A_1048 = tpu.vector_load %arg6[%get3A_1047] {strides = array<i32>} : memref<2048xi32, #tpu.memory_space<vmem>>, vector<16xi32>,
    %shift_left3A_1049 = arith.constant 13 : i32
    %shift_left3A_1050 = vector.broadcast %shift_left3A_1049 : i32 to vector<16xi32>
    %shift_left3A_1051 = arith.shli %get3A_1048, %shift_left3A_1050 : vector<16xi32>
    %sub3A_1052 = arith.constant 1616 : i32
    %sub3A_1053 = vector.broadcast %sub3A_1052 : i32 to vector<16xi32>
    %sub3A_1054 = arith.subi %sub3A_38, %sub3A_1053 : vector<16xi32>
    %add3A_1055 = arith.addi %shift_left3A_1051, %sub3A_1054 : vector<16xi32>
    %max3A_1056 = arith.maxsi %max3A_1046, %add3A_1055 : vector<16xi32>
    %get3A_1057 = arith.constant 1632 : index
    %get3A_1058 = tpu.vector_load %arg6[%get3A_1057] {strides = array<i32>} : memref<2048xi32, #tpu.memory_space<vmem>>, vector<16xi32>,
    %shift_left3A_1059 = arith.constant 13 : i32
    %shift_left3A_1060 = vector.broadcast %shift_left3A_1059 : i32 to vector<16xi32>
    %shift_left3A_1061 = arith.shli %get3A_1058, %shift_left3A_1060 : vector<16xi32>
    %sub3A_1062 = arith.constant 1632 : i32
    %sub3A_1063 = vector.broadcast %sub3A_1062 : i32 to vector<16xi32>
    %sub3A_1064 = arith.subi %sub3A_38, %sub3A_1063 : vector<16xi32>
    %add3A_1065 = arith.addi %shift_left3A_1061, %sub3A_1064 : vector<16xi32>
    %max3A_1066 = arith.maxsi %max3A_1056, %add3A_1065 : vector<16xi32>
    %get3A_1067 = arith.constant 1648 : index
    %get3A_1068 = tpu.vector_load %arg6[%get3A_1067] {strides = array<i32>} : memref<2048xi32, #tpu.memory_space<vmem>>, vector<16xi32>,
    %shift_left3A_1069 = arith.constant 13 : i32
    %shift_left3A_1070 = vector.broadcast %shift_left3A_1069 : i32 to vector<16xi32>
    %shift_left3A_1071 = arith.shli %get3A_1068, %shift_left3A_1070 : vector<16xi32>
    %sub3A_1072 = arith.constant 1648 : i32
    %sub3A_1073 = vector.broadcast %sub3A_1072 : i32 to vector<16xi32>
    %sub3A_1074 = arith.subi %sub3A_38, %sub3A_1073 : vector<16xi32>
    %add3A_1075 = arith.addi %shift_left3A_1071, %sub3A_1074 : vector<16xi32>
    %max3A_1076 = arith.maxsi %max3A_1066, %add3A_1075 : vector<16xi32>
    %get3A_1077 = arith.constant 1664 : index
    %get3A_1078 = tpu.vector_load %arg6[%get3A_1077] {strides = array<i32>} : memref<2048xi32, #tpu.memory_space<vmem>>, vector<16xi32>,
    %shift_left3A_1079 = arith.constant 13 : i32
    %shift_left3A_1080 = vector.broadcast %shift_left3A_1079 : i32 to vector<16xi32>
    %shift_left3A_1081 = arith.shli %get3A_1078, %shift_left3A_1080 : vector<16xi32>
    %sub3A_1082 = arith.constant 1664 : i32
    %sub3A_1083 = vector.broadcast %sub3A_1082 : i32 to vector<16xi32>
    %sub3A_1084 = arith.subi %sub3A_38, %sub3A_1083 : vector<16xi32>
    %add3A_1085 = arith.addi %shift_left3A_1081, %sub3A_1084 : vector<16xi32>
    %max3A_1086 = arith.maxsi %max3A_1076, %add3A_1085 : vector<16xi32>
    %get3A_1087 = arith.constant 1680 : index
    %get3A_1088 = tpu.vector_load %arg6[%get3A_1087] {strides = array<i32>} : memref<2048xi32, #tpu.memory_space<vmem>>, vector<16xi32>,
    %shift_left3A_1089 = arith.constant 13 : i32
    %shift_left3A_1090 = vector.broadcast %shift_left3A_1089 : i32 to vector<16xi32>
    %shift_left3A_1091 = arith.shli %get3A_1088, %shift_left3A_1090 : vector<16xi32>
    %sub3A_1092 = arith.constant 1680 : i32
    %sub3A_1093 = vector.broadcast %sub3A_1092 : i32 to vector<16xi32>
    %sub3A_1094 = arith.subi %sub3A_38, %sub3A_1093 : vector<16xi32>
    %add3A_1095 = arith.addi %shift_left3A_1091, %sub3A_1094 : vector<16xi32>
    %max3A_1096 = arith.maxsi %max3A_1086, %add3A_1095 : vector<16xi32>
    %get3A_1097 = arith.constant 1696 : index
    %get3A_1098 = tpu.vector_load %arg6[%get3A_1097] {strides = array<i32>} : memref<2048xi32, #tpu.memory_space<vmem>>, vector<16xi32>,
    %shift_left3A_1099 = arith.constant 13 : i32
    %shift_left3A_1100 = vector.broadcast %shift_left3A_1099 : i32 to vector<16xi32>
    %shift_left3A_1101 = arith.shli %get3A_1098, %shift_left3A_1100 : vector<16xi32>
    %sub3A_1102 = arith.constant 1696 : i32
    %sub3A_1103 = vector.broadcast %sub3A_1102 : i32 to vector<16xi32>
    %sub3A_1104 = arith.subi %sub3A_38, %sub3A_1103 : vector<16xi32>
    %add3A_1105 = arith.addi %shift_left3A_1101, %sub3A_1104 : vector<16xi32>
    %max3A_1106 = arith.maxsi %max3A_1096, %add3A_1105 : vector<16xi32>
    %get3A_1107 = arith.constant 1712 : index
    %get3A_1108 = tpu.vector_load %arg6[%get3A_1107] {strides = array<i32>} : memref<2048xi32, #tpu.memory_space<vmem>>, vector<16xi32>,
    %shift_left3A_1109 = arith.constant 13 : i32
    %shift_left3A_1110 = vector.broadcast %shift_left3A_1109 : i32 to vector<16xi32>
    %shift_left3A_1111 = arith.shli %get3A_1108, %shift_left3A_1110 : vector<16xi32>
    %sub3A_1112 = arith.constant 1712 : i32
    %sub3A_1113 = vector.broadcast %sub3A_1112 : i32 to vector<16xi32>
    %sub3A_1114 = arith.subi %sub3A_38, %sub3A_1113 : vector<16xi32>
    %add3A_1115 = arith.addi %shift_left3A_1111, %sub3A_1114 : vector<16xi32>
    %max3A_1116 = arith.maxsi %max3A_1106, %add3A_1115 : vector<16xi32>
    %get3A_1117 = arith.constant 1728 : index
    %get3A_1118 = tpu.vector_load %arg6[%get3A_1117] {strides = array<i32>} : memref<2048xi32, #tpu.memory_space<vmem>>, vector<16xi32>,
    %shift_left3A_1119 = arith.constant 13 : i32
    %shift_left3A_1120 = vector.broadcast %shift_left3A_1119 : i32 to vector<16xi32>
    %shift_left3A_1121 = arith.shli %get3A_1118, %shift_left3A_1120 : vector<16xi32>
    %sub3A_1122 = arith.constant 1728 : i32
    %sub3A_1123 = vector.broadcast %sub3A_1122 : i32 to vector<16xi32>
    %sub3A_1124 = arith.subi %sub3A_38, %sub3A_1123 : vector<16xi32>
    %add3A_1125 = arith.addi %shift_left3A_1121, %sub3A_1124 : vector<16xi32>
    %max3A_1126 = arith.maxsi %max3A_1116, %add3A_1125 : vector<16xi32>
    %get3A_1127 = arith.constant 1744 : index
    %get3A_1128 = tpu.vector_load %arg6[%get3A_1127] {strides = array<i32>} : memref<2048xi32, #tpu.memory_space<vmem>>, vector<16xi32>,
    %shift_left3A_1129 = arith.constant 13 : i32
    %shift_left3A_1130 = vector.broadcast %shift_left3A_1129 : i32 to vector<16xi32>
    %shift_left3A_1131 = arith.shli %get3A_1128, %shift_left3A_1130 : vector<16xi32>
    %sub3A_1132 = arith.constant 1744 : i32
    %sub3A_1133 = vector.broadcast %sub3A_1132 : i32 to vector<16xi32>
    %sub3A_1134 = arith.subi %sub3A_38, %sub3A_1133 : vector<16xi32>
    %add3A_1135 = arith.addi %shift_left3A_1131, %sub3A_1134 : vector<16xi32>
    %max3A_1136 = arith.maxsi %max3A_1126, %add3A_1135 : vector<16xi32>
    %get3A_1137 = arith.constant 1760 : index
    %get3A_1138 = tpu.vector_load %arg6[%get3A_1137] {strides = array<i32>} : memref<2048xi32, #tpu.memory_space<vmem>>, vector<16xi32>,
    %shift_left3A_1139 = arith.constant 13 : i32
    %shift_left3A_1140 = vector.broadcast %shift_left3A_1139 : i32 to vector<16xi32>
    %shift_left3A_1141 = arith.shli %get3A_1138, %shift_left3A_1140 : vector<16xi32>
    %sub3A_1142 = arith.constant 1760 : i32
    %sub3A_1143 = vector.broadcast %sub3A_1142 : i32 to vector<16xi32>
    %sub3A_1144 = arith.subi %sub3A_38, %sub3A_1143 : vector<16xi32>
    %add3A_1145 = arith.addi %shift_left3A_1141, %sub3A_1144 : vector<16xi32>
    %max3A_1146 = arith.maxsi %max3A_1136, %add3A_1145 : vector<16xi32>
    %get3A_1147 = arith.constant 1776 : index
    %get3A_1148 = tpu.vector_load %arg6[%get3A_1147] {strides = array<i32>} : memref<2048xi32, #tpu.memory_space<vmem>>, vector<16xi32>,
    %shift_left3A_1149 = arith.constant 13 : i32
    %shift_left3A_1150 = vector.broadcast %shift_left3A_1149 : i32 to vector<16xi32>
    %shift_left3A_1151 = arith.shli %get3A_1148, %shift_left3A_1150 : vector<16xi32>
    %sub3A_1152 = arith.constant 1776 : i32
    %sub3A_1153 = vector.broadcast %sub3A_1152 : i32 to vector<16xi32>
    %sub3A_1154 = arith.subi %sub3A_38, %sub3A_1153 : vector<16xi32>
    %add3A_1155 = arith.addi %shift_left3A_1151, %sub3A_1154 : vector<16xi32>
    %max3A_1156 = arith.maxsi %max3A_1146, %add3A_1155 : vector<16xi32>
    %get3A_1157 = arith.constant 1792 : index
    %get3A_1158 = tpu.vector_load %arg6[%get3A_1157] {strides = array<i32>} : memref<2048xi32, #tpu.memory_space<vmem>>, vector<16xi32>,
    %shift_left3A_1159 = arith.constant 13 : i32
    %shift_left3A_1160 = vector.broadcast %shift_left3A_1159 : i32 to vector<16xi32>
    %shift_left3A_1161 = arith.shli %get3A_1158, %shift_left3A_1160 : vector<16xi32>
    %sub3A_1162 = arith.constant 1792 : i32
    %sub3A_1163 = vector.broadcast %sub3A_1162 : i32 to vector<16xi32>
    %sub3A_1164 = arith.subi %sub3A_38, %sub3A_1163 : vector<16xi32>
    %add3A_1165 = arith.addi %shift_left3A_1161, %sub3A_1164 : vector<16xi32>
    %max3A_1166 = arith.maxsi %max3A_1156, %add3A_1165 : vector<16xi32>
    %get3A_1167 = arith.constant 1808 : index
    %get3A_1168 = tpu.vector_load %arg6[%get3A_1167] {strides = array<i32>} : memref<2048xi32, #tpu.memory_space<vmem>>, vector<16xi32>,
    %shift_left3A_1169 = arith.constant 13 : i32
    %shift_left3A_1170 = vector.broadcast %shift_left3A_1169 : i32 to vector<16xi32>
    %shift_left3A_1171 = arith.shli %get3A_1168, %shift_left3A_1170 : vector<16xi32>
    %sub3A_1172 = arith.constant 1808 : i32
    %sub3A_1173 = vector.broadcast %sub3A_1172 : i32 to vector<16xi32>
    %sub3A_1174 = arith.subi %sub3A_38, %sub3A_1173 : vector<16xi32>
    %add3A_1175 = arith.addi %shift_left3A_1171, %sub3A_1174 : vector<16xi32>
    %max3A_1176 = arith.maxsi %max3A_1166, %add3A_1175 : vector<16xi32>
    %get3A_1177 = arith.constant 1824 : index
    %get3A_1178 = tpu.vector_load %arg6[%get3A_1177] {strides = array<i32>} : memref<2048xi32, #tpu.memory_space<vmem>>, vector<16xi32>,
    %shift_left3A_1179 = arith.constant 13 : i32
    %shift_left3A_1180 = vector.broadcast %shift_left3A_1179 : i32 to vector<16xi32>
    %shift_left3A_1181 = arith.shli %get3A_1178, %shift_left3A_1180 : vector<16xi32>
    %sub3A_1182 = arith.constant 1824 : i32
    %sub3A_1183 = vector.broadcast %sub3A_1182 : i32 to vector<16xi32>
    %sub3A_1184 = arith.subi %sub3A_38, %sub3A_1183 : vector<16xi32>
    %add3A_1185 = arith.addi %shift_left3A_1181, %sub3A_1184 : vector<16xi32>
    %max3A_1186 = arith.maxsi %max3A_1176, %add3A_1185 : vector<16xi32>
    %get3A_1187 = arith.constant 1840 : index
    %get3A_1188 = tpu.vector_load %arg6[%get3A_1187] {strides = array<i32>} : memref<2048xi32, #tpu.memory_space<vmem>>, vector<16xi32>,
    %shift_left3A_1189 = arith.constant 13 : i32
    %shift_left3A_1190 = vector.broadcast %shift_left3A_1189 : i32 to vector<16xi32>
    %shift_left3A_1191 = arith.shli %get3A_1188, %shift_left3A_1190 : vector<16xi32>
    %sub3A_1192 = arith.constant 1840 : i32
    %sub3A_1193 = vector.broadcast %sub3A_1192 : i32 to vector<16xi32>
    %sub3A_1194 = arith.subi %sub3A_38, %sub3A_1193 : vector<16xi32>
    %add3A_1195 = arith.addi %shift_left3A_1191, %sub3A_1194 : vector<16xi32>
    %max3A_1196 = arith.maxsi %max3A_1186, %add3A_1195 : vector<16xi32>
    %get3A_1197 = arith.constant 1856 : index
    %get3A_1198 = tpu.vector_load %arg6[%get3A_1197] {strides = array<i32>} : memref<2048xi32, #tpu.memory_space<vmem>>, vector<16xi32>,
    %shift_left3A_1199 = arith.constant 13 : i32
    %shift_left3A_1200 = vector.broadcast %shift_left3A_1199 : i32 to vector<16xi32>
    %shift_left3A_1201 = arith.shli %get3A_1198, %shift_left3A_1200 : vector<16xi32>
    %sub3A_1202 = arith.constant 1856 : i32
    %sub3A_1203 = vector.broadcast %sub3A_1202 : i32 to vector<16xi32>
    %sub3A_1204 = arith.subi %sub3A_38, %sub3A_1203 : vector<16xi32>
    %add3A_1205 = arith.addi %shift_left3A_1201, %sub3A_1204 : vector<16xi32>
    %max3A_1206 = arith.maxsi %max3A_1196, %add3A_1205 : vector<16xi32>
    %get3A_1207 = arith.constant 1872 : index
    %get3A_1208 = tpu.vector_load %arg6[%get3A_1207] {strides = array<i32>} : memref<2048xi32, #tpu.memory_space<vmem>>, vector<16xi32>,
    %shift_left3A_1209 = arith.constant 13 : i32
    %shift_left3A_1210 = vector.broadcast %shift_left3A_1209 : i32 to vector<16xi32>
    %shift_left3A_1211 = arith.shli %get3A_1208, %shift_left3A_1210 : vector<16xi32>
    %sub3A_1212 = arith.constant 1872 : i32
    %sub3A_1213 = vector.broadcast %sub3A_1212 : i32 to vector<16xi32>
    %sub3A_1214 = arith.subi %sub3A_38, %sub3A_1213 : vector<16xi32>
    %add3A_1215 = arith.addi %shift_left3A_1211, %sub3A_1214 : vector<16xi32>
    %max3A_1216 = arith.maxsi %max3A_1206, %add3A_1215 : vector<16xi32>
    %get3A_1217 = arith.constant 1888 : index
    %get3A_1218 = tpu.vector_load %arg6[%get3A_1217] {strides = array<i32>} : memref<2048xi32, #tpu.memory_space<vmem>>, vector<16xi32>,
    %shift_left3A_1219 = arith.constant 13 : i32
    %shift_left3A_1220 = vector.broadcast %shift_left3A_1219 : i32 to vector<16xi32>
    %shift_left3A_1221 = arith.shli %get3A_1218, %shift_left3A_1220 : vector<16xi32>
    %sub3A_1222 = arith.constant 1888 : i32
    %sub3A_1223 = vector.broadcast %sub3A_1222 : i32 to vector<16xi32>
    %sub3A_1224 = arith.subi %sub3A_38, %sub3A_1223 : vector<16xi32>
    %add3A_1225 = arith.addi %shift_left3A_1221, %sub3A_1224 : vector<16xi32>
    %max3A_1226 = arith.maxsi %max3A_1216, %add3A_1225 : vector<16xi32>
    %get3A_1227 = arith.constant 1904 : index
    %get3A_1228 = tpu.vector_load %arg6[%get3A_1227] {strides = array<i32>} : memref<2048xi32, #tpu.memory_space<vmem>>, vector<16xi32>,
    %shift_left3A_1229 = arith.constant 13 : i32
    %shift_left3A_1230 = vector.broadcast %shift_left3A_1229 : i32 to vector<16xi32>
    %shift_left3A_1231 = arith.shli %get3A_1228, %shift_left3A_1230 : vector<16xi32>
    %sub3A_1232 = arith.constant 1904 : i32
    %sub3A_1233 = vector.broadcast %sub3A_1232 : i32 to vector<16xi32>
    %sub3A_1234 = arith.subi %sub3A_38, %sub3A_1233 : vector<16xi32>
    %add3A_1235 = arith.addi %shift_left3A_1231, %sub3A_1234 : vector<16xi32>
    %max3A_1236 = arith.maxsi %max3A_1226, %add3A_1235 : vector<16xi32>
    %get3A_1237 = arith.constant 1920 : index
    %get3A_1238 = tpu.vector_load %arg6[%get3A_1237] {strides = array<i32>} : memref<2048xi32, #tpu.memory_space<vmem>>, vector<16xi32>,
    %shift_left3A_1239 = arith.constant 13 : i32
    %shift_left3A_1240 = vector.broadcast %shift_left3A_1239 : i32 to vector<16xi32>
    %shift_left3A_1241 = arith.shli %get3A_1238, %shift_left3A_1240 : vector<16xi32>
    %sub3A_1242 = arith.constant 1920 : i32
    %sub3A_1243 = vector.broadcast %sub3A_1242 : i32 to vector<16xi32>
    %sub3A_1244 = arith.subi %sub3A_38, %sub3A_1243 : vector<16xi32>
    %add3A_1245 = arith.addi %shift_left3A_1241, %sub3A_1244 : vector<16xi32>
    %max3A_1246 = arith.maxsi %max3A_1236, %add3A_1245 : vector<16xi32>
    %get3A_1247 = arith.constant 1936 : index
    %get3A_1248 = tpu.vector_load %arg6[%get3A_1247] {strides = array<i32>} : memref<2048xi32, #tpu.memory_space<vmem>>, vector<16xi32>,
    %shift_left3A_1249 = arith.constant 13 : i32
    %shift_left3A_1250 = vector.broadcast %shift_left3A_1249 : i32 to vector<16xi32>
    %shift_left3A_1251 = arith.shli %get3A_1248, %shift_left3A_1250 : vector<16xi32>
    %sub3A_1252 = arith.constant 1936 : i32
    %sub3A_1253 = vector.broadcast %sub3A_1252 : i32 to vector<16xi32>
    %sub3A_1254 = arith.subi %sub3A_38, %sub3A_1253 : vector<16xi32>
    %add3A_1255 = arith.addi %shift_left3A_1251, %sub3A_1254 : vector<16xi32>
    %max3A_1256 = arith.maxsi %max3A_1246, %add3A_1255 : vector<16xi32>
    %get3A_1257 = arith.constant 1952 : index
    %get3A_1258 = tpu.vector_load %arg6[%get3A_1257] {strides = array<i32>} : memref<2048xi32, #tpu.memory_space<vmem>>, vector<16xi32>,
    %shift_left3A_1259 = arith.constant 13 : i32
    %shift_left3A_1260 = vector.broadcast %shift_left3A_1259 : i32 to vector<16xi32>
    %shift_left3A_1261 = arith.shli %get3A_1258, %shift_left3A_1260 : vector<16xi32>
    %sub3A_1262 = arith.constant 1952 : i32
    %sub3A_1263 = vector.broadcast %sub3A_1262 : i32 to vector<16xi32>
    %sub3A_1264 = arith.subi %sub3A_38, %sub3A_1263 : vector<16xi32>
    %add3A_1265 = arith.addi %shift_left3A_1261, %sub3A_1264 : vector<16xi32>
    %max3A_1266 = arith.maxsi %max3A_1256, %add3A_1265 : vector<16xi32>
    %get3A_1267 = arith.constant 1968 : index
    %get3A_1268 = tpu.vector_load %arg6[%get3A_1267] {strides = array<i32>} : memref<2048xi32, #tpu.memory_space<vmem>>, vector<16xi32>,
    %shift_left3A_1269 = arith.constant 13 : i32
    %shift_left3A_1270 = vector.broadcast %shift_left3A_1269 : i32 to vector<16xi32>
    %shift_left3A_1271 = arith.shli %get3A_1268, %shift_left3A_1270 : vector<16xi32>
    %sub3A_1272 = arith.constant 1968 : i32
    %sub3A_1273 = vector.broadcast %sub3A_1272 : i32 to vector<16xi32>
    %sub3A_1274 = arith.subi %sub3A_38, %sub3A_1273 : vector<16xi32>
    %add3A_1275 = arith.addi %shift_left3A_1271, %sub3A_1274 : vector<16xi32>
    %max3A_1276 = arith.maxsi %max3A_1266, %add3A_1275 : vector<16xi32>
    %get3A_1277 = arith.constant 1984 : index
    %get3A_1278 = tpu.vector_load %arg6[%get3A_1277] {strides = array<i32>} : memref<2048xi32, #tpu.memory_space<vmem>>, vector<16xi32>,
    %shift_left3A_1279 = arith.constant 13 : i32
    %shift_left3A_1280 = vector.broadcast %shift_left3A_1279 : i32 to vector<16xi32>
    %shift_left3A_1281 = arith.shli %get3A_1278, %shift_left3A_1280 : vector<16xi32>
    %sub3A_1282 = arith.constant 1984 : i32
    %sub3A_1283 = vector.broadcast %sub3A_1282 : i32 to vector<16xi32>
    %sub3A_1284 = arith.subi %sub3A_38, %sub3A_1283 : vector<16xi32>
    %add3A_1285 = arith.addi %shift_left3A_1281, %sub3A_1284 : vector<16xi32>
    %max3A_1286 = arith.maxsi %max3A_1276, %add3A_1285 : vector<16xi32>
    %get3A_1287 = arith.constant 2000 : index
    %get3A_1288 = tpu.vector_load %arg6[%get3A_1287] {strides = array<i32>} : memref<2048xi32, #tpu.memory_space<vmem>>, vector<16xi32>,
    %shift_left3A_1289 = arith.constant 13 : i32
    %shift_left3A_1290 = vector.broadcast %shift_left3A_1289 : i32 to vector<16xi32>
    %shift_left3A_1291 = arith.shli %get3A_1288, %shift_left3A_1290 : vector<16xi32>
    %sub3A_1292 = arith.constant 2000 : i32
    %sub3A_1293 = vector.broadcast %sub3A_1292 : i32 to vector<16xi32>
    %sub3A_1294 = arith.subi %sub3A_38, %sub3A_1293 : vector<16xi32>
    %add3A_1295 = arith.addi %shift_left3A_1291, %sub3A_1294 : vector<16xi32>
    %max3A_1296 = arith.maxsi %max3A_1286, %add3A_1295 : vector<16xi32>
    %get3A_1297 = arith.constant 2016 : index
    %get3A_1298 = tpu.vector_load %arg6[%get3A_1297] {strides = array<i32>} : memref<2048xi32, #tpu.memory_space<vmem>>, vector<16xi32>,
    %shift_left3A_1299 = arith.constant 13 : i32
    %shift_left3A_1300 = vector.broadcast %shift_left3A_1299 : i32 to vector<16xi32>
    %shift_left3A_1301 = arith.shli %get3A_1298, %shift_left3A_1300 : vector<16xi32>
    %sub3A_1302 = arith.constant 2016 : i32
    %sub3A_1303 = vector.broadcast %sub3A_1302 : i32 to vector<16xi32>
    %sub3A_1304 = arith.subi %sub3A_38, %sub3A_1303 : vector<16xi32>
    %add3A_1305 = arith.addi %shift_left3A_1301, %sub3A_1304 : vector<16xi32>
    %max3A_1306 = arith.maxsi %max3A_1296, %add3A_1305 : vector<16xi32>
    %get3A_1307 = arith.constant 2032 : index
    %get3A_1308 = tpu.vector_load %arg6[%get3A_1307] {strides = array<i32>} : memref<2048xi32, #tpu.memory_space<vmem>>, vector<16xi32>,
    %shift_left3A_1309 = arith.constant 13 : i32
    %shift_left3A_1310 = vector.broadcast %shift_left3A_1309 : i32 to vector<16xi32>
    %shift_left3A_1311 = arith.shli %get3A_1308, %shift_left3A_1310 : vector<16xi32>
    %sub3A_1312 = arith.constant 2032 : i32
    %sub3A_1313 = vector.broadcast %sub3A_1312 : i32 to vector<16xi32>
    %sub3A_1314 = arith.subi %sub3A_38, %sub3A_1313 : vector<16xi32>
    %add3A_1315 = arith.addi %shift_left3A_1311, %sub3A_1314 : vector<16xi32>
    %max3A_1316 = arith.maxsi %max3A_1306, %add3A_1315 : vector<16xi32>
    %swap3A = arith.constant 0 : index
    %swap3A_1317 = tpu.vector_load %arg7[%swap3A] {strides = array<i32>} : memref<16xi32, #tpu.memory_space<vmem>>, vector<16xi32>,
    tpu.vector_store %arg7[%swap3A], %max3A_1316 {strides = array<i32>} : memref<16xi32, #tpu.memory_space<vmem>>, vector<16xi32>,
    "tpu.region"() ({
      %run_scoped3A = tpu.sem_alloc : memref<!tpu.dma_semaphore, #tpu.memory_space<semaphore_mem>>
      %dma_start3A = arith.constant 0 : i32
      %dma_start3A_1321 = tpu.memref_slice %arg5[%arg1, %dma_start3A] : memref<16x16xi32, #tpu.memory_space<hbm>> -> memref<1x16xi32, #tpu.memory_space<hbm>>
      %dma_start3A_1322 = tpu.memref_squeeze %dma_start3A_1321 : memref<1x16xi32, #tpu.memory_space<hbm>> -> memref<16xi32, #tpu.memory_space<hbm>>
      %dma_start3A_1323 = arith.constant 0 : i32
      %dma_start3A_1324 = tpu.memref_slice %arg5[%arg1, %dma_start3A_1323] : memref<16x16xi32, #tpu.memory_space<hbm>> -> memref<1x16xi32, #tpu.memory_space<hbm>>
      %dma_start3A_1325 = tpu.memref_squeeze %dma_start3A_1324 : memref<1x16xi32, #tpu.memory_space<hbm>> -> memref<16xi32, #tpu.memory_space<hbm>>
      tpu.enqueue_dma source(%arg7 : memref<16xi32, #tpu.memory_space<vmem>>) target(%dma_start3A_1325 : memref<16xi32, #tpu.memory_space<hbm>>) target_semaphore(%run_scoped3A : memref<!tpu.dma_semaphore, #tpu.memory_space<semaphore_mem>>)
      %dma_wait3A = arith.constant 0 : i32
      %dma_wait3A_1326 = tpu.memref_slice %arg5[%arg1, %dma_wait3A] : memref<16x16xi32, #tpu.memory_space<hbm>> -> memref<1x16xi32, #tpu.memory_space<hbm>>
      %dma_wait3A_1327 = tpu.memref_squeeze %dma_wait3A_1326 : memref<1x16xi32, #tpu.memory_space<hbm>> -> memref<16xi32, #tpu.memory_space<hbm>>
      %dma_wait3A_1328 = arith.constant 0 : i32
      %dma_wait3A_1329 = tpu.memref_slice %arg5[%arg1, %dma_wait3A_1328] : memref<16x16xi32, #tpu.memory_space<hbm>> -> memref<1x16xi32, #tpu.memory_space<hbm>>
      %dma_wait3A_1330 = tpu.memref_squeeze %dma_wait3A_1329 : memref<1x16xi32, #tpu.memory_space<hbm>> -> memref<16xi32, #tpu.memory_space<hbm>>
      tpu.wait_dma2 semaphore(%run_scoped3A : memref<!tpu.dma_semaphore, #tpu.memory_space<semaphore_mem>>) src(%arg7 : memref<16xi32, #tpu.memory_space<vmem>>) dst(%dma_wait3A_1330 : memref<16xi32, #tpu.memory_space<hbm>>)
      tpu.yield
    }) : () -> ()
    %barrier3A = arith.constant 0 : index
    tpu.barrier barrier_id(%barrier3A)
    %eq3A_1318 = arith.constant 0 : i32
    %eq3A_1319 = arith.cmpi eq, %select_n3A_30, %eq3A_1318 : i32
    %convert_element_type3A = arith.extui %eq3A_1319 : i1 to i32
    %cond3A = arith.constant 0 : i32
    %cond3A_1320 = arith.cmpi ne, %convert_element_type3A, %cond3A : i32
    scf.if %cond3A_1320 {
      %jit3A_1321 = arith.constant 4 : i32
      %div3A_1322 = arith.divsi %arg1, %jit3A_1321 : i32
      %sign3A_1323 = arith.constant 0 : i32
      %sign3A_1324 = arith.cmpi sgt, %arg1, %sign3A_1323 : i32
      %sign3A_1325 = arith.extui %sign3A_1324 : i1 to i32
      %sign3A_1326 = arith.constant 0 : i32
      %sign3A_1327 = arith.cmpi slt, %arg1, %sign3A_1326 : i32
      %sign3A_1328 = arith.extui %sign3A_1327 : i1 to i32
      %sign3A_1329 = arith.subi %sign3A_1325, %sign3A_1328 : i32
      %sign3A_1330 = arith.constant 0 : i32
      %sign3A_1331 = arith.cmpi sgt, %jit3A_1321, %sign3A_1330 : i32
      %sign3A_1332 = arith.extui %sign3A_1331 : i1 to i32
      %sign3A_1333 = arith.constant 0 : i32
      %sign3A_1334 = arith.cmpi slt, %jit3A_1321, %sign3A_1333 : i32
      %sign3A_1335 = arith.extui %sign3A_1334 : i1 to i32
      %sign3A_1336 = arith.subi %sign3A_1332, %sign3A_1335 : i32
      %ne3A_1337 = arith.cmpi ne, %sign3A_1329, %sign3A_1336 : i32
      %rem3A_1338 = arith.remsi %arg1, %jit3A_1321 : i32
      %ne3A_1339 = arith.constant 0 : i32
      %ne3A_1340 = arith.cmpi ne, %rem3A_1338, %ne3A_1339 : i32
      %and3A_1341 = arith.andi %ne3A_1337, %ne3A_1340 : i1
      %sub3A_1342 = arith.constant 1 : i32
      %sub3A_1343 = arith.subi %div3A_1322, %sub3A_1342 : i32
      %select_n3A_1344 = arith.select %and3A_1341, %sub3A_1343, %div3A_1322 : i32
      %mul3A_1345 = arith.constant 4 : i32
      %mul3A_1346 = arith.muli %select_n3A_1344, %mul3A_1345 : i32
      "tpu.region"() ({
        %run_scoped3A = tpu.sem_alloc : memref<!tpu.dma_semaphore, #tpu.memory_space<semaphore_mem>>
        %dma_start3A = arith.constant 0 : i32
        %dma_start3A_1377 = tpu.memref_slice %arg5[%mul3A_1346, %dma_start3A] : memref<16x16xi32, #tpu.memory_space<hbm>> -> memref<4x16xi32, #tpu.memory_space<hbm>>
        %dma_start3A_1378 = arith.constant 0 : i32
        %dma_start3A_1379 = tpu.memref_slice %arg5[%mul3A_1346, %dma_start3A_1378] : memref<16x16xi32, #tpu.memory_space<hbm>> -> memref<4x16xi32, #tpu.memory_space<hbm>>
        tpu.enqueue_dma source(%dma_start3A_1379 : memref<4x16xi32, #tpu.memory_space<hbm>>) target(%arg8 : memref<4x16xi32, #tpu.memory_space<vmem>>) target_semaphore(%run_scoped3A : memref<!tpu.dma_semaphore, #tpu.memory_space<semaphore_mem>>)
        %dma_wait3A = arith.constant 0 : i32
        %dma_wait3A_1380 = tpu.memref_slice %arg5[%mul3A_1346, %dma_wait3A] : memref<16x16xi32, #tpu.memory_space<hbm>> -> memref<4x16xi32, #tpu.memory_space<hbm>>
        %dma_wait3A_1381 = arith.constant 0 : i32
        %dma_wait3A_1382 = tpu.memref_slice %arg5[%mul3A_1346, %dma_wait3A_1381] : memref<16x16xi32, #tpu.memory_space<hbm>> -> memref<4x16xi32, #tpu.memory_space<hbm>>
        tpu.wait_dma2 semaphore(%run_scoped3A : memref<!tpu.dma_semaphore, #tpu.memory_space<semaphore_mem>>) src(%dma_wait3A_1382 : memref<4x16xi32, #tpu.memory_space<hbm>>) dst(%arg8 : memref<4x16xi32, #tpu.memory_space<vmem>>)
        tpu.yield
      }) : () -> ()
      %get3A_1347 = arith.constant 0 : i32
      %get3A_1348 = arith.index_cast %get3A_1347 : i32 to index
      %get3A_1349 = arith.constant 0 : index
      %get3A_1350 = tpu.vector_load %arg8[%get3A_1348, %get3A_1349] {strides = array<i32>} : memref<4x16xi32, #tpu.memory_space<vmem>>, vector<16xi32>,
      %get3A_1351 = arith.constant 1 : i32
      %get3A_1352 = arith.index_cast %get3A_1351 : i32 to index
      %get3A_1353 = arith.constant 0 : index
      %get3A_1354 = tpu.vector_load %arg8[%get3A_1352, %get3A_1353] {strides = array<i32>} : memref<4x16xi32, #tpu.memory_space<vmem>>, vector<16xi32>,
      %max3A_1355 = arith.maxsi %get3A_1350, %get3A_1354 : vector<16xi32>
      %get3A_1356 = arith.constant 2 : i32
      %get3A_1357 = arith.index_cast %get3A_1356 : i32 to index
      %get3A_1358 = arith.constant 0 : index
      %get3A_1359 = tpu.vector_load %arg8[%get3A_1357, %get3A_1358] {strides = array<i32>} : memref<4x16xi32, #tpu.memory_space<vmem>>, vector<16xi32>,
      %max3A_1360 = arith.maxsi %max3A_1355, %get3A_1359 : vector<16xi32>
      %get3A_1361 = arith.constant 3 : i32
      %get3A_1362 = arith.index_cast %get3A_1361 : i32 to index
      %get3A_1363 = arith.constant 0 : index
      %get3A_1364 = tpu.vector_load %arg8[%get3A_1362, %get3A_1363] {strides = array<i32>} : memref<4x16xi32, #tpu.memory_space<vmem>>, vector<16xi32>,
      %max3A_1365 = arith.maxsi %max3A_1360, %get3A_1364 : vector<16xi32>
      %reduce_max3A = arith.constant true
      %reduce_max3A_1366 = vector.broadcast %reduce_max3A : i1 to vector<16xi1>
      %reduce_max3A_1367 = arith.constant -2147483648 : i32
      %reduce_max3A_1368 = vector.broadcast %reduce_max3A_1367 : i32 to vector<16xi32>
      %reduce_max3A_1369 = arith.xori %max3A_1365, %reduce_max3A_1368 : vector<16xi32>
      %reduce_max3A_1370 = tpu.scan <max>, %reduce_max3A_1369 masked %reduce_max3A_1366 : vector<16xi32>, vector<16xi1> -> vector<16xi32>
      %reduce_max3A_1371 = arith.xori %reduce_max3A_1370, %reduce_max3A_1368 : vector<16xi32>
      %reduce_max3A_1372 = vector.extract %reduce_max3A_1371[15] : i32 from vector<16xi32>
      %and3A_1373 = arith.constant 8191 : i32
      %and3A_1374 = arith.andi %reduce_max3A_1372, %and3A_1373 : i32
      %sub3A_1375 = arith.constant 8191 : i32
      %sub3A_1376 = arith.subi %sub3A_1375, %and3A_1374 : i32
      "tpu.region"() ({
        %run_scoped3A = tpu.sem_alloc : memref<!tpu.dma_semaphore, #tpu.memory_space<semaphore_mem>>
        %dma_start3A = arith.constant 0 : i32
        %dma_start3A_1377 = tpu.memref_slice %arg3[%add3A, %sub3A_1376, %dma_start3A] : memref<4x8192x2048xf32, #tpu.memory_space<hbm>> -> memref<1x1x2048xf32, #tpu.memory_space<hbm>>
        %dma_start3A_1378 = tpu.memref_squeeze %dma_start3A_1377 : memref<1x1x2048xf32, #tpu.memory_space<hbm>> -> memref<1x2048xf32, #tpu.memory_space<hbm>>
        %dma_start3A_1379 = arith.constant 0 : i32
        %dma_start3A_1380 = tpu.memref_slice %arg3[%add3A, %sub3A_1376, %dma_start3A_1379] : memref<4x8192x2048xf32, #tpu.memory_space<hbm>> -> memref<1x1x2048xf32, #tpu.memory_space<hbm>>
        %dma_start3A_1381 = tpu.memref_squeeze %dma_start3A_1380 : memref<1x1x2048xf32, #tpu.memory_space<hbm>> -> memref<1x2048xf32, #tpu.memory_space<hbm>>
        tpu.enqueue_dma source(%dma_start3A_1381 : memref<1x2048xf32, #tpu.memory_space<hbm>>) target(%arg9 : memref<1x2048xf32, #tpu.memory_space<vmem>>) target_semaphore(%run_scoped3A : memref<!tpu.dma_semaphore, #tpu.memory_space<semaphore_mem>>)
        %dma_wait3A = arith.constant 0 : i32
        %dma_wait3A_1382 = tpu.memref_slice %arg3[%add3A, %sub3A_1376, %dma_wait3A] : memref<4x8192x2048xf32, #tpu.memory_space<hbm>> -> memref<1x1x2048xf32, #tpu.memory_space<hbm>>
        %dma_wait3A_1383 = tpu.memref_squeeze %dma_wait3A_1382 : memref<1x1x2048xf32, #tpu.memory_space<hbm>> -> memref<1x2048xf32, #tpu.memory_space<hbm>>
        %dma_wait3A_1384 = arith.constant 0 : i32
        %dma_wait3A_1385 = tpu.memref_slice %arg3[%add3A, %sub3A_1376, %dma_wait3A_1384] : memref<4x8192x2048xf32, #tpu.memory_space<hbm>> -> memref<1x1x2048xf32, #tpu.memory_space<hbm>>
        %dma_wait3A_1386 = tpu.memref_squeeze %dma_wait3A_1385 : memref<1x1x2048xf32, #tpu.memory_space<hbm>> -> memref<1x2048xf32, #tpu.memory_space<hbm>>
        tpu.wait_dma2 semaphore(%run_scoped3A : memref<!tpu.dma_semaphore, #tpu.memory_space<semaphore_mem>>) src(%dma_wait3A_1386 : memref<1x2048xf32, #tpu.memory_space<hbm>>) dst(%arg9 : memref<1x2048xf32, #tpu.memory_space<vmem>>)
        tpu.yield
      }) : () -> ()
      "tpu.region"() ({
        %run_scoped3A = tpu.sem_alloc : memref<!tpu.dma_semaphore, #tpu.memory_space<semaphore_mem>>
        %dma_start3A = arith.constant 0 : i32
        %dma_start3A_1377 = tpu.memref_slice %arg4[%add3A, %dma_start3A] : memref<4x2048xf32, #tpu.memory_space<hbm>> -> memref<1x2048xf32, #tpu.memory_space<hbm>>
        %dma_start3A_1378 = arith.constant 0 : i32
        %dma_start3A_1379 = tpu.memref_slice %arg4[%add3A, %dma_start3A_1378] : memref<4x2048xf32, #tpu.memory_space<hbm>> -> memref<1x2048xf32, #tpu.memory_space<hbm>>
        tpu.enqueue_dma source(%arg9 : memref<1x2048xf32, #tpu.memory_space<vmem>>) target(%dma_start3A_1379 : memref<1x2048xf32, #tpu.memory_space<hbm>>) target_semaphore(%run_scoped3A : memref<!tpu.dma_semaphore, #tpu.memory_space<semaphore_mem>>)
        %dma_wait3A = arith.constant 0 : i32
        %dma_wait3A_1380 = tpu.memref_slice %arg4[%add3A, %dma_wait3A] : memref<4x2048xf32, #tpu.memory_space<hbm>> -> memref<1x2048xf32, #tpu.memory_space<hbm>>
        %dma_wait3A_1381 = arith.constant 0 : i32
        %dma_wait3A_1382 = tpu.memref_slice %arg4[%add3A, %dma_wait3A_1381] : memref<4x2048xf32, #tpu.memory_space<hbm>> -> memref<1x2048xf32, #tpu.memory_space<hbm>>
        tpu.wait_dma2 semaphore(%run_scoped3A : memref<!tpu.dma_semaphore, #tpu.memory_space<semaphore_mem>>) src(%arg9 : memref<1x2048xf32, #tpu.memory_space<vmem>>) dst(%dma_wait3A_1382 : memref<1x2048xf32, #tpu.memory_space<hbm>>)
        tpu.yield
      }) : () -> ()
    } else {
    }
    return
  }
}

</mosaic_0001>

<sc_bundles>
// kernel: kernel.3.cloned.1.call-start
scs
__scs_entry_jumppad:
0x0: {  	(pc) =	sbr.rel $0x88, $3  }
0x1: {  	(tag) =	ssettag $0x0;
	lr =	simm.s32 $0x1  }
0x2: {  	[smem:$0x3F9F] =	sst lr;
	_ =	strace $0xD0000000  }
0x3: {  	_ = 	snop  }
0x4: {  	_ = 	snop  }
0x5: {  	_ = 	snop  }
0x6: {  	_ = 	snop  }
0x7: {  	_ = 	snop  }
__scs_overlays_trampoline_lowered:
0x8: {  	[smem:$0x3FAE] =	sst s0  }
0x9: {  	[smem:$0x3FAF] =	sst s1  }
0xa: {  	[smem:$0x3FB0] =	sst s2  }
0xb: {  	[smem:$0x3FB1] =	sst s3  }
0xc: {  	[smem:$0x3FB2] =	sst s4  }
0xd: {  	[smem:$0x3FB3] =	sst s5  }
0xe: {  	[smem:$0x3FB4] =	sst s6  }
0xf: {  	[smem:$0x3FB5] =	sst s7  }
0x10: {  	[smem:$0x3FB6] =	sst s8  }
0x11: {  	[smem:$0x3FB7] =	sst s9;
	s0 =	simm.s32 @!p0 $0x0  }
0x12: {  	s1 =	sld [smem:$0x3F9D];
	s0 =	simm.s32 @p0 $0x1  }
0x13: {  	[smem:$0x3FB8] =	sst s0;
	s0 =	simm.s32 @!p1 $0x0  }
0x14: {  	s2 =	sld [smem:$0x3F9C];
	s0 =	simm.s32 @p1 $0x1  }
0x15: {  	[smem:$0x3FB9] =	sst s0;
	s0 =	simm.s32 @!p2 $0x0  }
0x16: {  	s3 =	sld [smem:$0x3FDB];
	s0 =	simm.s32 @p2 $0x1  }
0x17: {  	s4 =	simm.s32 $0x1BF5;
	[smem:$0x3FBB] =	sst s0  }
0x18: {  	s0 =	sld [smem:$0x3F9E];
	_ =	swait.ge [sflag:s4], $0x0  }
0x19: {  	s7 =	sld [smem:$0x3F9F]  }
0x1a: {  	s8 =	sadd.s32 $0xFFFFE003, lr  }
0x1b: {  	s9 =	sadd.s32 $0xFFFFFEF7, lr;
	s5 =	simm.s32 $0xFFFFFFFF;
	p2 =	slt.u32 s8, $0xFFFFF086  }
0x1c: {  	p1 =	slt.u32 s9, $0xF7A;
	s5 =	simm.s32 @!p2 $0x0  }
0x1d: {  	s5 =	simm.s32 @p1 $0x1;
	p0 =	seq.s32 s7, s2  }
0x1e: {  	s7 =	smul.u32 @!p0 $0xF7A, s2;
	p2 =	seq.s32 @!p0 s5, $0x0  }
0x1f: {  	s9 =	smul.u32 $0xF7A, s1;
	s8 =	simm.s32 @!p0 $0x1BF5;
	p2 =	por !p2, p0  }
0x20: {  	[sflag:s8] =	ssyncset.s32 @!p0 $0xFFFFF086;
	s6 =	sadd.s32 @!p0 s3, s7;
	s7 =	simm.s32 @!p0 $0x108  }
0x21: {  	s3 =	sadd.s32 s3, s9;
	s6 =	sadd.s32 @!p0 $0x88, s6;
	s7 =	simm.s32 @p2 $0x1082  }
0x22: {  	[simem:s7], [sflag:s8] =	dma.local @!p0 [hbm:s6], $0xF7A  }
0x23: {  	s9 =	sor.u32 $0xD0000000, s2;
	s6 =	simm.s32 $0x108;
	_ =	swait.ge @!p0 [sflag:s8], $0x0  }
0x24: {  	s3 =	sadd.s32 $0x88, s3;
	s6 =	simm.s32 @!p1 $0x1082;
	[sflag:s4] =	ssyncset.s32 $0xFFFFF086  }
0x25: {  	[simem:s6], [sflag:s4] =	dma.local [hbm:s3], $0xF7A  }
0x26: {  	[smem:$0x3F9F] =	sst s1;
	(tag) =	ssettag s2;
	_ =	strace s9  }
0x27: {  	s1 =	sld [smem:$0x3FAF]  }
0x28: {  	s2 =	sld [smem:$0x3FB0]  }
0x29: {  	s4 =	sld [smem:$0x3FB2]  }
0x2a: {  	p0 =	seq.s32 s5, $0x0;
	s5 =	sld [smem:$0x3FB3]  }
0x2b: {  	s6 =	sld [smem:$0x3FB4]  }
0x2c: {  	s7 =	sld [smem:$0x3FB5]  }
0x2d: {  	s3 =	simm.s32 $0x108;
	s8 =	sld [smem:$0x3FB6]  }
0x2e: {  	s3 =	simm.s32 @!p0 $0x1082;
	s9 =	sld [smem:$0x3FB7]  }
0x2f: {  	lr =	sadd.s32 s0, s3;
	s0 =	sld [smem:$0x3FAE]  }
0x30: {  	s3 =	sld [smem:$0x3FB1]  }
0x31: {  	[smem:$0x3FBA] =	sst s10  }
0x32: {  	s10 =	sld [smem:$0x3FB8];
	_ =	sdelay $0x3  }
0x33: {  	p0 =	seq.s32 s10, $0x1;
	s10 =	sld [smem:$0x3FBA];
	_ =	sdelay $0x3  }
0x34: {  	[smem:$0x3FBA] =	sst s10  }
0x35: {  	s10 =	sld [smem:$0x3FB9];
	_ =	sdelay $0x3  }
0x36: {  	p1 =	seq.s32 s10, $0x1;
	s10 =	sld [smem:$0x3FBA];
	_ =	sdelay $0x3  }
0x37: {  	[smem:$0x3FBA] =	sst s10  }
0x38: {  	s10 =	sld [smem:$0x3FBB]  }
0x39: {  	_ = 	snop;
	(pc) =	sbr.ind lr, $3  }
0x3a: {  	_ = 	snop  }
0x3b: {  	_ = 	snop  }
0x3c: {  	p2 =	seq.s32 s10, $0x1;
	s10 =	sld [smem:$0x3FBA]  }
0x3d: {  	_ =	shalt  }
0x3e: {  	_ =	shalt  }
0x3f: {  	_ =	shalt  }
0x40: {  	_ =	shalt  }
0x41: {  	_ =	shalt  }
0x42: {  	_ =	shalt  }
0x43: {  	_ =	shalt  }
0x44: {  	_ =	shalt  }
0x45: {  	_ =	shalt  }
0x46: {  	_ =	shalt  }
0x47: {  	_ =	shalt  }
0x48: {  	_ =	shalt  }
0x49: {  	_ =	shalt  }
0x4a: {  	_ =	shalt  }
0x4b: {  	_ =	shalt  }
0x4c: {  	_ =	shalt  }
0x4d: {  	_ =	shalt  }
0x4e: {  	_ =	shalt  }
0x4f: {  	_ =	shalt  }
0x50: {  	_ =	shalt  }
0x51: {  	_ =	shalt  }
0x52: {  	_ =	shalt  }
0x53: {  	_ =	shalt  }
0x54: {  	_ =	shalt  }
0x55: {  	_ =	shalt  }
0x56: {  	_ =	shalt  }
0x57: {  	_ =	shalt  }
0x58: {  	_ =	shalt  }
0x59: {  	_ =	shalt  }
0x5a: {  	_ =	shalt  }
0x5b: {  	_ =	shalt  }
0x5c: {  	_ =	shalt  }
0x5d: {  	_ =	shalt  }
0x5e: {  	_ =	shalt  }
0x5f: {  	_ =	shalt  }
0x60: {  	_ =	shalt  }
0x61: {  	_ =	shalt  }
0x62: {  	_ =	shalt  }
0x63: {  	_ =	shalt  }
0x64: {  	_ =	shalt  }
0x65: {  	_ =	shalt  }
0x66: {  	_ =	shalt  }
0x67: {  	_ =	shalt  }
0x68: {  	_ =	shalt  }
0x69: {  	_ =	shalt  }
0x6a: {  	_ =	shalt  }
0x6b: {  	_ =	shalt  }
0x6c: {  	_ =	shalt  }
0x6d: {  	_ =	shalt  }
0x6e: {  	_ =	shalt  }
0x6f: {  	_ =	shalt  }
0x70: {  	_ =	shalt  }
0x71: {  	_ =	shalt  }
0x72: {  	_ =	shalt  }
0x73: {  	_ =	shalt  }
0x74: {  	_ =	shalt  }
0x75: {  	_ =	shalt  }
0x76: {  	_ =	shalt  }
0x77: {  	_ =	shalt  }
0x78: {  	_ =	shalt  }
0x79: {  	_ =	shalt  }
0x7a: {  	_ =	shalt  }
0x7b: {  	_ =	shalt  }
0x7c: {  	_ =	shalt  }
0x7d: {  	_ =	shalt  }
0x7e: {  	_ =	shalt  }
0x7f: {  	_ =	shalt  }
0x80: {  	_ =	shalt  }
0x81: {  	_ =	shalt  }
0x82: {  	_ =	shalt  }
0x83: {  	_ =	shalt  }
0x84: {  	_ =	shalt  }
0x85: {  	_ =	shalt  }
0x86: {  	_ =	shalt  }
0x87: {  	_ =	shalt  }
.Lfunc_end0:
.L_simem_size_0:
called_computation_lowered:
.L_overlay_start_0:
0x88: {  	s0 =	sld [smem:$0x3FD9]  }
0x89: {  	s1 =	sld [smem:$0x3FFE];
	_ =	sdelay $0x3  }
0x8a: {  	s0 =	sadd.s32 s1, s0  }
0x8b: {  	[smem:$0x3FC6] =	sst s0  }
0x8c: {  	_ = 	snop  }
0x8d: {  	s0 =	sld [smem:$0x3FC9]  }
0x8e: {  	s16 =	sld [smem:$0x3FC8]  }
0x8f: {  	s2 =	sld [smem:$0x3FD0];
	(tm) =	ssettm $0x1  }
0x90: {  	s3 =	sld [smem:$0x3FFB];
	_ =	sdelay $0x3  }
0x91: {  	_ =	strace s3  }
0x92: {  	s3 =	sld [smem:$0x3FFC];
	_ =	sdelay $0x3  }
0x93: {  	_ =	strace s3  }
0x94: {  	s3 =	sld [smem:$0x3FFD];
	_ =	sdelay $0x3  }
0x95: {  	_ =	strace s3  }
0x96: {  	_ =	strace $0x8FFFFFFF  }
0x97: {  	s17 =	sld [smem:$0x3FDB];
	_ =	sdelay $0x1  }
0x98: {  	s4 =	simm.s32 $_scs_section_size  }
0x99: {  	s5 =	simm.s32 $_size__tile_overlayer_lowered;
	s6 =	simm.s32 $_tile_overlayer_lowered  }
0x9a: {  	s20 =	simm.s32 $0x1BFF;
	s19 =	sshll.u32 s6, $0x1;
	s3 =	sadd.s32 s4, s17  }
0x9b: {  	s7 =	simm.s32 $0x0;
	s18 =	sshll.u32 s5, $0x1;
	s5 =	sadd.s32 s19, s3  }
0x9c: {  	[timem:s7], [sflag:s20] =	dma.local [hbm:s5], s18  }
0x9d: {  	_ =	swait.ge [sflag:s20], s18  }
0x9e: {  	s4 =	ssub.s32 $0x0, s18;
	[sflag:s20] =	ssyncset.done $0x0  }
0x9f: {  	[sflag:s20] =	ssyncadd.s32 s4;
	_ =	sdelay $0x1  }
0xa0: {  	s21 =	simm.s32 $0x1B8B  }
0xa1: {  	_ =	swait.ge [sflag:s21], $0x1  }
0xa2: {  	[sflag:s21] =	ssyncset.done $0x0  }
0xa3: {  	s23 =	simm.s32 $0x1B8E;
	s22 =	sld [smem:$0x3FFE];
	[sflag:s21] =	ssyncadd.s32 $0xFFFFFFFF  }
0xa4: {  	s24 =	simm.s32 $execute0_lowered;
	[smem:$0x3FD2] =	sst s23  }
0xa5: {  	s5 =	sshll.u32 s24, $0x1;
	_ =	strace $0x80000046;
	[dreg:$0x1] =	wrdreg $0xFFFFFFFF  }
0xa6: {  	s25 =	simm.s32 $_size_execute0_lowered;
	s3 =	sadd.s32 s3, s5;
	[dreg:$0x0] =	wrdreg $0x0  }
0xa7: {  	s5 =	sshll.u32 s25, $0x1;
	[dreg:$0x2] =	wrdreg s3  }
0xa8: {  	[dreg:$0x3] =	wrdreg s5  }
0xa9: {  	[dreg:$0x4] =	wrdreg $0xC0  }
0xaa: {  	_ =	task [dreg:s7], $0x5FFFF  }
0xab: {  	[dreg:$0x1] =	wrdreg $0xFFFFFFFF  }
0xac: {  	[dreg:$0x0] =	wrdreg $0x60  }
0xad: {  	[dreg:$0x2] =	wrdreg s0  }
0xae: {  	[dreg:$0x3] =	wrdreg s16  }
0xaf: {  	[dreg:$0x4] =	wrdreg s2  }
0xb0: {  	[dreg:$0x5] =	wrdreg s22  }
0xb1: {  	[dreg:$0x6] =	wrdreg $0x9  }
0xb2: {  	_ =	task.clear_ibuf [dreg:s7], $0x7FFFF;
	_ =	strace $0x90000046  }
0xb3: {  	s26 =	simm.s32 $0x9;
	_ =	strace $0x80000048  }
0xb4: {  	_ =	swait.ge [sflag:s26], $0x1  }
0xb5: {  	[sflag:s26] =	ssyncadd.s32 $0xFFFFFFFF  }
0xb6: {  	_ =	strace $0x90000048  }
0xb7: {  	_ =	sfence  }
0xb8: {  	s28 =	sld [smem:$0x0];
	_ =	sdelay $0x1  }
0xb9: {  	s29 =	srdreg.scid  }
0xba: {  	s30 =	sshll.u32 s29, $0xD;
	s31 =	sshrl.u32 s29, $0x2  }
0xbb: {  	s1 =	sand.u32 $0x1, s29;
	s2 =	sand.u32 $0x4000, s30;
	s0 =	sadd.s32 s31, s28  }
0xbc: {  	s1 =	sor.u32 s2, s1;
	s0 =	sshll.u32 s0, $0x11  }
0xbd: {  	s0 =	sor.u32 s0, s1  }
0xbe: {  	s0 =	sadd.s32 $0x8F2B, s0  }
0xbf: {  	[sflag:s0] =	ssyncadd.remote.s32 $0x1  }
0xc0: {  	_ =	sfence.sel $0xFFFF  }
0xc1: {  	[dreg:$0x0] =	wrdreg $0xFFFFFFFF;
	(pc) =	sbr.abs _section_cstart, $3  }
0xc2: {  	[dreg:$0x1] =	wrdreg $0xFFFFFFFF  }
0xc3: {  	_ =	task.clear_ibuf [dreg:s7], $0x2FFFF;
	_ =	strace $0x9FFFFFFF  }
0xc4: {  	(tm) =	ssettm $0x7FFFFFFF  }
0xc5: {  	_ =	shalt  }
tec
execute0_lowered:
.L_overlay_start_1:
0x0: {  	(tag) =	ssettag $0x1  }
0x1: {  	s9 =	rddreg [dreg:$0x0]  }
0x2: {  	s4 =	rddreg [dreg:$0x1]  }
0x3: {  	s2 =	rddreg [dreg:$0x2]  }
0x4: {  	s8 =	rddreg [dreg:$0x3]  }
0x5: {  	s1 =	stileid.u32;
	s0 =	rddreg [dreg:$0x4]  }
0x6: {  	s6 =	simm.s32 $0x0;
	s26 =	simm.s32 $0x80;
	s5 =	sshrl.u32 s1, $0x2  }
0x7: {  	s11 =	simm.s32 $0x200;
	s7 =	sand.u32 $0x3, s1;
	s3 =	sshll.u32 s5, $0x4  }
0x8: {  	[smem:$0x7FF] =	sst s6;
	s10 =	sshll.u32 s7, $0xA;
	s9 =	sadd.s32 s9, s3  }
0x9: {  	s28 =	simm.s32 $0x1;
	_ =	strace $0x80000047;
	s9 =	sadd.s32 s10, s9  }
0xa: {  	[tilespmem:s6], [sflag:$0x1] =	stream.strided.gather [hbm4b:s9+s26], $0x800, s11, s26, $0x38;
	[tilespmem:$0x1280] =	vst v63  }
0xb: {  	_ =	swait.ge [sflag:s28], $0x800  }
0xc: {  	[sflag:s28] =	ssyncset.done $0x0  }
0xd: {  	[sflag:s28] =	ssyncadd.s32 $0xFFFFF800  }
0xe: {  	v1 =	vld [tilespmem:$0x0]  }
0xf: {  	v2 =	vld [tilespmem:$0x10];
	_ =	sdelay $0x1  }
0x10: {  	v3 =	vld [tilespmem:$0x20]  }
0x11: {  	v0 =	vlaneseq.u32  }
0x12: {  	v0 =	vmul.u32 $0xFFFFFFFF, v0;
	s29 =	sshll.u32 s7, $0xB;
	v4 =	vld [tilespmem:$0x30]  }
0x13: {  	s10 =	sxor.u32 $0x1FFF, s29;
	v1 =	vshll.u32 v1, $0xD;
	v2 =	vshll.u32 v2, $0xD  }
0x14: {  	v5 =	vadd.s32 $0xFFFFFFF0, v0;
	v6 =	vld [tilespmem:$0x40];
	v1 =	vor.u32 s10, v1;
	v2 =	vor.u32 s10, v2  }
0x15: {  	v3 =	vshll.u32 v3, $0xD;
	v1 =	vadd.s32 v0, v1;
	v2 =	vadd.s32 v5, v2  }
0x16: {  	v9 =	vadd.s32 $0xFFFFFFE0, v0;
	v7 =	vld [tilespmem:$0x50];
	v3 =	vor.u32 s10, v3;
	vm0 =	vgt.s32 v1, v2  }
0x17: {  	v4 =	vshll.u32 v4, $0xD;
	v10 =	vadd.s32 v9, v3;
	v1 =	vsel vm0, v1, v2  }
0x18: {  	v12 =	vadd.s32 $0xFFFFFFD0, v0;
	v13 =	vld [tilespmem:$0x60];
	v11 =	vor.u32 s10, v4;
	vm0 =	vgt.s32 v1, v10  }
0x19: {  	v6 =	vshll.u32 v6, $0xD;
	v14 =	vadd.s32 v12, v11;
	v1 =	vsel vm0, v1, v10  }
0x1a: {  	v16 =	vadd.s32 $0xFFFFFFC0, v0;
	v17 =	vld [tilespmem:$0x70];
	v15 =	vor.u32 s10, v6;
	vm0 =	vgt.s32 v1, v14  }
0x1b: {  	v7 =	vshll.u32 v7, $0xD;
	v18 =	vadd.s32 v16, v15;
	v1 =	vsel vm0, v1, v14  }
0x1c: {  	v20 =	vadd.s32 $0xFFFFFFB0, v0;
	v21 =	vld [tilespmem:$0x80];
	v19 =	vor.u32 s10, v7;
	vm0 =	vgt.s32 v1, v18  }
0x1d: {  	v5 =	vshll.u32 v13, $0xD;
	v22 =	vadd.s32 v20, v19;
	v1 =	vsel vm0, v1, v18  }
0x1e: {  	v24 =	vadd.s32 $0xFFFFFFA0, v0;
	v25 =	vld [tilespmem:$0x90];
	v23 =	vor.u32 s10, v5;
	vm0 =	vgt.s32 v1, v22  }
0x1f: {  	v6 =	vshll.u32 v17, $0xD;
	v26 =	vadd.s32 v24, v23;
	v1 =	vsel vm0, v1, v22  }
0x20: {  	v28 =	vadd.s32 $0xFFFFFF90, v0;
	v29 =	vld [tilespmem:$0xA0];
	v27 =	vor.u32 s10, v6;
	vm0 =	vgt.s32 v1, v26  }
0x21: {  	v7 =	vshll.u32 v21, $0xD;
	v30 =	vadd.s32 v28, v27;
	v1 =	vsel vm0, v1, v26  }
0x22: {  	v32 =	vadd.s32 $0xFFFFFF80, v0;
	v33 =	vld [tilespmem:$0xB0];
	v31 =	vor.u32 s10, v7;
	vm0 =	vgt.s32 v1, v30  }
0x23: {  	v5 =	vshll.u32 v25, $0xD;
	v34 =	vadd.s32 v32, v31;
	v1 =	vsel vm0, v1, v30  }
0x24: {  	v36 =	vadd.s32 $0xFFFFFF70, v0;
	v37 =	vld [tilespmem:$0xC0];
	v35 =	vor.u32 s10, v5;
	vm0 =	vgt.s32 v1, v34  }
0x25: {  	v6 =	vshll.u32 v29, $0xD;
	v38 =	vadd.s32 v36, v35;
	v1 =	vsel vm0, v1, v34  }
0x26: {  	v40 =	vadd.s32 $0xFFFFFF60, v0;
	v41 =	vld [tilespmem:$0xD0];
	v39 =	vor.u32 s10, v6;
	vm0 =	vgt.s32 v1, v38  }
0x27: {  	v7 =	vshll.u32 v33, $0xD;
	v42 =	vadd.s32 v40, v39;
	v1 =	vsel vm0, v1, v38  }
0x28: {  	v44 =	vadd.s32 $0xFFFFFF50, v0;
	v45 =	vld [tilespmem:$0xE0];
	v43 =	vor.u32 s10, v7;
	vm0 =	vgt.s32 v1, v42  }
0x29: {  	v5 =	vshll.u32 v37, $0xD;
	v46 =	vadd.s32 v44, v43;
	v1 =	vsel vm0, v1, v42  }
0x2a: {  	v48 =	vadd.s32 $0xFFFFFF40, v0;
	v49 =	vld [tilespmem:$0xF0];
	v47 =	vor.u32 s10, v5;
	vm0 =	vgt.s32 v1, v46  }
0x2b: {  	v6 =	vshll.u32 v41, $0xD;
	v50 =	vadd.s32 v48, v47;
	v1 =	vsel vm0, v1, v46  }
0x2c: {  	v52 =	vadd.s32 $0xFFFFFF30, v0;
	v53 =	vld [tilespmem:$0x100];
	v51 =	vor.u32 s10, v6;
	vm0 =	vgt.s32 v1, v50  }
0x2d: {  	v7 =	vshll.u32 v45, $0xD;
	v54 =	vadd.s32 v52, v51;
	v1 =	vsel vm0, v1, v50  }
0x2e: {  	v56 =	vadd.s32 $0xFFFFFF20, v0;
	v57 =	vld [tilespmem:$0x110];
	v55 =	vor.u32 s10, v7;
	vm0 =	vgt.s32 v1, v54  }
0x2f: {  	v5 =	vshll.u32 v49, $0xD;
	v58 =	vadd.s32 v56, v55;
	v1 =	vsel vm0, v1, v54  }
0x30: {  	v60 =	vadd.s32 $0xFFFFFF10, v0;
	v61 =	vld [tilespmem:$0x120];
	v59 =	vor.u32 s10, v5;
	vm0 =	vgt.s32 v1, v58  }
0x31: {  	v6 =	vshll.u32 v53, $0xD;
	v62 =	vadd.s32 v60, v59;
	v1 =	vsel vm0, v1, v58  }
0x32: {  	v9 =	vadd.s32 $0xFFFFFF00, v0;
	v63 =	vor.u32 s10, v6;
	v10 =	vld [tilespmem:$0x130];
	vm0 =	vgt.s32 v1, v62  }
0x33: {  	v7 =	vshll.u32 v57, $0xD;
	v11 =	vadd.s32 v9, v63;
	v1 =	vsel vm0, v1, v62  }
0x34: {  	v13 =	vadd.s32 $0xFFFFFEF0, v0;
	v12 =	vor.u32 s10, v7;
	v14 =	vld [tilespmem:$0x140];
	vm0 =	vgt.s32 v1, v11  }
0x35: {  	v5 =	vshll.u32 v61, $0xD;
	v15 =	vadd.s32 v13, v12;
	v1 =	vsel vm0, v1, v11  }
0x36: {  	v17 =	vadd.s32 $0xFFFFFEE0, v0;
	v16 =	vor.u32 s10, v5;
	v18 =	vld [tilespmem:$0x150];
	vm0 =	vgt.s32 v1, v15  }
0x37: {  	v19 =	vadd.s32 v17, v16;
	v6 =	vshll.u32 v10, $0xD;
	v1 =	vsel vm0, v1, v15  }
0x38: {  	v21 =	vadd.s32 $0xFFFFFED0, v0;
	v20 =	vor.u32 s10, v6;
	v22 =	vld [tilespmem:$0x160];
	vm0 =	vgt.s32 v1, v19  }
0x39: {  	v7 =	vshll.u32 v14, $0xD;
	v23 =	vadd.s32 v21, v20;
	v1 =	vsel vm0, v1, v19  }
0x3a: {  	v25 =	vadd.s32 $0xFFFFFEC0, v0;
	v24 =	vor.u32 s10, v7;
	v26 =	vld [tilespmem:$0x170];
	vm0 =	vgt.s32 v1, v23  }
0x3b: {  	v5 =	vshll.u32 v18, $0xD;
	v27 =	vadd.s32 v25, v24;
	v1 =	vsel vm0, v1, v23  }
0x3c: {  	v29 =	vadd.s32 $0xFFFFFEB0, v0;
	v28 =	vor.u32 s10, v5;
	v30 =	vld [tilespmem:$0x180];
	vm0 =	vgt.s32 v1, v27  }
0x3d: {  	v6 =	vshll.u32 v22, $0xD;
	v31 =	vadd.s32 v29, v28;
	v1 =	vsel vm0, v1, v27  }
0x3e: {  	v33 =	vadd.s32 $0xFFFFFEA0, v0;
	v32 =	vor.u32 s10, v6;
	v34 =	vld [tilespmem:$0x190];
	vm0 =	vgt.s32 v1, v31  }
0x3f: {  	v7 =	vshll.u32 v26, $0xD;
	v35 =	vadd.s32 v33, v32;
	v1 =	vsel vm0, v1, v31  }
0x40: {  	v37 =	vadd.s32 $0xFFFFFE90, v0;
	v36 =	vor.u32 s10, v7;
	v38 =	vld [tilespmem:$0x1A0];
	vm0 =	vgt.s32 v1, v35  }
0x41: {  	v5 =	vshll.u32 v30, $0xD;
	v39 =	vadd.s32 v37, v36;
	v1 =	vsel vm0, v1, v35  }
0x42: {  	v41 =	vadd.s32 $0xFFFFFE80, v0;
	v40 =	vor.u32 s10, v5;
	v42 =	vld [tilespmem:$0x1B0];
	vm0 =	vgt.s32 v1, v39  }
0x43: {  	v6 =	vshll.u32 v34, $0xD;
	v43 =	vadd.s32 v41, v40;
	v1 =	vsel vm0, v1, v39  }
0x44: {  	v45 =	vadd.s32 $0xFFFFFE70, v0;
	v44 =	vor.u32 s10, v6;
	v46 =	vld [tilespmem:$0x1C0];
	vm0 =	vgt.s32 v1, v43  }
0x45: {  	v7 =	vshll.u32 v38, $0xD;
	v47 =	vadd.s32 v45, v44;
	v1 =	vsel vm0, v1, v43  }
0x46: {  	v49 =	vadd.s32 $0xFFFFFE60, v0;
	v48 =	vor.u32 s10, v7;
	v50 =	vld [tilespmem:$0x1D0];
	vm0 =	vgt.s32 v1, v47  }
0x47: {  	v5 =	vshll.u32 v42, $0xD;
	v51 =	vadd.s32 v49, v48;
	v1 =	vsel vm0, v1, v47  }
0x48: {  	v53 =	vadd.s32 $0xFFFFFE50, v0;
	v52 =	vor.u32 s10, v5;
	v54 =	vld [tilespmem:$0x1E0];
	vm0 =	vgt.s32 v1, v51  }
0x49: {  	v6 =	vshll.u32 v46, $0xD;
	v55 =	vadd.s32 v53, v52;
	v1 =	vsel vm0, v1, v51  }
0x4a: {  	v57 =	vadd.s32 $0xFFFFFE40, v0;
	v56 =	vor.u32 s10, v6;
	v58 =	vld [tilespmem:$0x1F0];
	vm0 =	vgt.s32 v1, v55  }
0x4b: {  	v7 =	vshll.u32 v50, $0xD;
	v59 =	vadd.s32 v57, v56;
	v1 =	vsel vm0, v1, v55  }
0x4c: {  	v61 =	vadd.s32 $0xFFFFFE30, v0;
	v60 =	vor.u32 s10, v7;
	v62 =	vld [tilespmem:$0x200];
	vm0 =	vgt.s32 v1, v59  }
0x4d: {  	v5 =	vshll.u32 v54, $0xD;
	v63 =	vadd.s32 v61, v60;
	v1 =	vsel vm0, v1, v59  }
0x4e: {  	v10 =	vadd.s32 $0xFFFFFE20, v0;
	v9 =	vor.u32 s10, v5;
	v11 =	vld [tilespmem:$0x210];
	vm0 =	vgt.s32 v1, v63  }
0x4f: {  	v6 =	vshll.u32 v58, $0xD;
	v12 =	vadd.s32 v10, v9;
	v1 =	vsel vm0, v1, v63  }
0x50: {  	v14 =	vadd.s32 $0xFFFFFE10, v0;
	v13 =	vor.u32 s10, v6;
	v15 =	vld [tilespmem:$0x220];
	vm0 =	vgt.s32 v1, v12  }
0x51: {  	v7 =	vshll.u32 v62, $0xD;
	v16 =	vadd.s32 v14, v13;
	v1 =	vsel vm0, v1, v12  }
0x52: {  	v18 =	vadd.s32 $0xFFFFFE00, v0;
	v17 =	vor.u32 s10, v7;
	v19 =	vld [tilespmem:$0x230];
	vm0 =	vgt.s32 v1, v16  }
0x53: {  	v5 =	vshll.u32 v11, $0xD;
	v20 =	vadd.s32 v18, v17;
	v1 =	vsel vm0, v1, v16  }
0x54: {  	v22 =	vadd.s32 $0xFFFFFDF0, v0;
	v21 =	vor.u32 s10, v5;
	v23 =	vld [tilespmem:$0x240];
	vm0 =	vgt.s32 v1, v20  }
0x55: {  	v6 =	vshll.u32 v15, $0xD;
	v24 =	vadd.s32 v22, v21;
	v1 =	vsel vm0, v1, v20  }
0x56: {  	v26 =	vadd.s32 $0xFFFFFDE0, v0;
	v25 =	vor.u32 s10, v6;
	v27 =	vld [tilespmem:$0x250];
	vm0 =	vgt.s32 v1, v24  }
0x57: {  	v7 =	vshll.u32 v19, $0xD;
	v28 =	vadd.s32 v26, v25;
	v1 =	vsel vm0, v1, v24  }
0x58: {  	v30 =	vadd.s32 $0xFFFFFDD0, v0;
	v29 =	vor.u32 s10, v7;
	v31 =	vld [tilespmem:$0x260];
	vm0 =	vgt.s32 v1, v28  }
0x59: {  	v5 =	vshll.u32 v23, $0xD;
	v32 =	vadd.s32 v30, v29;
	v1 =	vsel vm0, v1, v28  }
0x5a: {  	v34 =	vadd.s32 $0xFFFFFDC0, v0;
	v33 =	vor.u32 s10, v5;
	v35 =	vld [tilespmem:$0x270];
	vm0 =	vgt.s32 v1, v32  }
0x5b: {  	v6 =	vshll.u32 v27, $0xD;
	v36 =	vadd.s32 v34, v33;
	v1 =	vsel vm0, v1, v32  }
0x5c: {  	v38 =	vadd.s32 $0xFFFFFDB0, v0;
	v37 =	vor.u32 s10, v6;
	v39 =	vld [tilespmem:$0x280];
	vm0 =	vgt.s32 v1, v36  }
0x5d: {  	v7 =	vshll.u32 v31, $0xD;
	v40 =	vadd.s32 v38, v37;
	v1 =	vsel vm0, v1, v36  }
0x5e: {  	v42 =	vadd.s32 $0xFFFFFDA0, v0;
	v41 =	vor.u32 s10, v7;
	v43 =	vld [tilespmem:$0x290];
	vm0 =	vgt.s32 v1, v40  }
0x5f: {  	v5 =	vshll.u32 v35, $0xD;
	v44 =	vadd.s32 v42, v41;
	v1 =	vsel vm0, v1, v40  }
0x60: {  	v46 =	vadd.s32 $0xFFFFFD90, v0;
	v45 =	vor.u32 s10, v5;
	v47 =	vld [tilespmem:$0x2A0];
	vm0 =	vgt.s32 v1, v44  }
0x61: {  	v6 =	vshll.u32 v39, $0xD;
	v48 =	vadd.s32 v46, v45;
	v1 =	vsel vm0, v1, v44  }
0x62: {  	v50 =	vadd.s32 $0xFFFFFD80, v0;
	v49 =	vor.u32 s10, v6;
	v51 =	vld [tilespmem:$0x2B0];
	vm0 =	vgt.s32 v1, v48  }
0x63: {  	v7 =	vshll.u32 v43, $0xD;
	v52 =	vadd.s32 v50, v49;
	v1 =	vsel vm0, v1, v48  }
0x64: {  	v54 =	vadd.s32 $0xFFFFFD70, v0;
	v53 =	vor.u32 s10, v7;
	v55 =	vld [tilespmem:$0x2C0];
	vm0 =	vgt.s32 v1, v52  }
0x65: {  	v5 =	vshll.u32 v47, $0xD;
	v56 =	vadd.s32 v54, v53;
	v1 =	vsel vm0, v1, v52  }
0x66: {  	v58 =	vadd.s32 $0xFFFFFD60, v0;
	v57 =	vor.u32 s10, v5;
	v59 =	vld [tilespmem:$0x2D0];
	vm0 =	vgt.s32 v1, v56  }
0x67: {  	v6 =	vshll.u32 v51, $0xD;
	v60 =	vadd.s32 v58, v57;
	v1 =	vsel vm0, v1, v56  }
0x68: {  	v62 =	vadd.s32 $0xFFFFFD50, v0;
	v61 =	vor.u32 s10, v6;
	v63 =	vld [tilespmem:$0x2E0];
	vm0 =	vgt.s32 v1, v60  }
0x69: {  	v7 =	vshll.u32 v55, $0xD;
	v9 =	vadd.s32 v62, v61;
	v1 =	vsel vm0, v1, v60  }
0x6a: {  	v11 =	vadd.s32 $0xFFFFFD40, v0;
	v10 =	vor.u32 s10, v7;
	v12 =	vld [tilespmem:$0x2F0];
	vm0 =	vgt.s32 v1, v9  }
0x6b: {  	v5 =	vshll.u32 v59, $0xD;
	v13 =	vadd.s32 v11, v10;
	v1 =	vsel vm0, v1, v9  }
0x6c: {  	v15 =	vadd.s32 $0xFFFFFD30, v0;
	v14 =	vor.u32 s10, v5;
	v16 =	vld [tilespmem:$0x300];
	vm0 =	vgt.s32 v1, v13  }
0x6d: {  	v6 =	vshll.u32 v63, $0xD;
	v17 =	vadd.s32 v15, v14;
	v1 =	vsel vm0, v1, v13  }
0x6e: {  	v19 =	vadd.s32 $0xFFFFFD20, v0;
	v18 =	vor.u32 s10, v6;
	v20 =	vld [tilespmem:$0x310];
	vm0 =	vgt.s32 v1, v17  }
0x6f: {  	v7 =	vshll.u32 v12, $0xD;
	v21 =	vadd.s32 v19, v18;
	v1 =	vsel vm0, v1, v17  }
0x70: {  	v23 =	vadd.s32 $0xFFFFFD10, v0;
	v22 =	vor.u32 s10, v7;
	v24 =	vld [tilespmem:$0x320];
	vm0 =	vgt.s32 v1, v21  }
0x71: {  	v5 =	vshll.u32 v16, $0xD;
	v25 =	vadd.s32 v23, v22;
	v1 =	vsel vm0, v1, v21  }
0x72: {  	v27 =	vadd.s32 $0xFFFFFD00, v0;
	v26 =	vor.u32 s10, v5;
	v28 =	vld [tilespmem:$0x330];
	vm0 =	vgt.s32 v1, v25  }
0x73: {  	v6 =	vshll.u32 v20, $0xD;
	v29 =	vadd.s32 v27, v26;
	v1 =	vsel vm0, v1, v25  }
0x74: {  	v31 =	vadd.s32 $0xFFFFFCF0, v0;
	v30 =	vor.u32 s10, v6;
	v32 =	vld [tilespmem:$0x340];
	vm0 =	vgt.s32 v1, v29  }
0x75: {  	v7 =	vshll.u32 v24, $0xD;
	v33 =	vadd.s32 v31, v30;
	v1 =	vsel vm0, v1, v29  }
0x76: {  	v35 =	vadd.s32 $0xFFFFFCE0, v0;
	v34 =	vor.u32 s10, v7;
	v36 =	vld [tilespmem:$0x350];
	vm0 =	vgt.s32 v1, v33  }
0x77: {  	v5 =	vshll.u32 v28, $0xD;
	v37 =	vadd.s32 v35, v34;
	v1 =	vsel vm0, v1, v33  }
0x78: {  	v39 =	vadd.s32 $0xFFFFFCD0, v0;
	v38 =	vor.u32 s10, v5;
	v40 =	vld [tilespmem:$0x360];
	vm0 =	vgt.s32 v1, v37  }
0x79: {  	v6 =	vshll.u32 v32, $0xD;
	v41 =	vadd.s32 v39, v38;
	v1 =	vsel vm0, v1, v37  }
0x7a: {  	v43 =	vadd.s32 $0xFFFFFCC0, v0;
	v42 =	vor.u32 s10, v6;
	v44 =	vld [tilespmem:$0x370];
	vm0 =	vgt.s32 v1, v41  }
0x7b: {  	v7 =	vshll.u32 v36, $0xD;
	v45 =	vadd.s32 v43, v42;
	v1 =	vsel vm0, v1, v41  }
0x7c: {  	v47 =	vadd.s32 $0xFFFFFCB0, v0;
	v46 =	vor.u32 s10, v7;
	v48 =	vld [tilespmem:$0x380];
	vm0 =	vgt.s32 v1, v45  }
0x7d: {  	v5 =	vshll.u32 v40, $0xD;
	v49 =	vadd.s32 v47, v46;
	v1 =	vsel vm0, v1, v45  }
0x7e: {  	v51 =	vadd.s32 $0xFFFFFCA0, v0;
	v50 =	vor.u32 s10, v5;
	v52 =	vld [tilespmem:$0x390];
	vm0 =	vgt.s32 v1, v49  }
0x7f: {  	v6 =	vshll.u32 v44, $0xD;
	v53 =	vadd.s32 v51, v50;
	v1 =	vsel vm0, v1, v49  }
0x80: {  	v55 =	vadd.s32 $0xFFFFFC90, v0;
	v54 =	vor.u32 s10, v6;
	v56 =	vld [tilespmem:$0x3A0];
	vm0 =	vgt.s32 v1, v53  }
0x81: {  	v7 =	vshll.u32 v48, $0xD;
	v57 =	vadd.s32 v55, v54;
	v1 =	vsel vm0, v1, v53  }
0x82: {  	v59 =	vadd.s32 $0xFFFFFC80, v0;
	v58 =	vor.u32 s10, v7;
	v60 =	vld [tilespmem:$0x3B0];
	vm0 =	vgt.s32 v1, v57  }
0x83: {  	v5 =	vshll.u32 v52, $0xD;
	v61 =	vadd.s32 v59, v58;
	v1 =	vsel vm0, v1, v57  }
0x84: {  	v63 =	vadd.s32 $0xFFFFFC70, v0;
	v62 =	vor.u32 s10, v5;
	v9 =	vld [tilespmem:$0x3C0];
	vm0 =	vgt.s32 v1, v61  }
0x85: {  	v6 =	vshll.u32 v56, $0xD;
	v10 =	vadd.s32 v63, v62;
	v1 =	vsel vm0, v1, v61  }
0x86: {  	v12 =	vadd.s32 $0xFFFFFC60, v0;
	v11 =	vor.u32 s10, v6;
	v13 =	vld [tilespmem:$0x3D0];
	vm0 =	vgt.s32 v1, v10  }
0x87: {  	v7 =	vshll.u32 v60, $0xD;
	v14 =	vadd.s32 v12, v11;
	v1 =	vsel vm0, v1, v10  }
0x88: {  	v16 =	vadd.s32 $0xFFFFFC50, v0;
	v15 =	vor.u32 s10, v7;
	v17 =	vld [tilespmem:$0x3E0];
	vm0 =	vgt.s32 v1, v14  }
0x89: {  	v5 =	vshll.u32 v9, $0xD;
	v18 =	vadd.s32 v16, v15;
	v1 =	vsel vm0, v1, v14  }
0x8a: {  	v20 =	vadd.s32 $0xFFFFFC40, v0;
	v19 =	vor.u32 s10, v5;
	v21 =	vld [tilespmem:$0x3F0];
	vm0 =	vgt.s32 v1, v18  }
0x8b: {  	v6 =	vshll.u32 v13, $0xD;
	v22 =	vadd.s32 v20, v19;
	v1 =	vsel vm0, v1, v18  }
0x8c: {  	v24 =	vadd.s32 $0xFFFFFC30, v0;
	v23 =	vor.u32 s10, v6;
	v25 =	vld [tilespmem:$0x400];
	vm0 =	vgt.s32 v1, v22  }
0x8d: {  	v7 =	vshll.u32 v17, $0xD;
	v26 =	vadd.s32 v24, v23;
	v1 =	vsel vm0, v1, v22  }
0x8e: {  	v28 =	vadd.s32 $0xFFFFFC20, v0;
	v27 =	vor.u32 s10, v7;
	v29 =	vld [tilespmem:$0x410];
	vm0 =	vgt.s32 v1, v26  }
0x8f: {  	v5 =	vshll.u32 v21, $0xD;
	v30 =	vadd.s32 v28, v27;
	v1 =	vsel vm0, v1, v26  }
0x90: {  	v32 =	vadd.s32 $0xFFFFFC10, v0;
	v31 =	vor.u32 s10, v5;
	v33 =	vld [tilespmem:$0x420];
	vm0 =	vgt.s32 v1, v30  }
0x91: {  	v6 =	vshll.u32 v25, $0xD;
	v34 =	vadd.s32 v32, v31;
	v1 =	vsel vm0, v1, v30  }
0x92: {  	v36 =	vadd.s32 $0xFFFFFC00, v0;
	v35 =	vor.u32 s10, v6;
	v37 =	vld [tilespmem:$0x430];
	vm0 =	vgt.s32 v1, v34  }
0x93: {  	v7 =	vshll.u32 v29, $0xD;
	v38 =	vadd.s32 v36, v35;
	v1 =	vsel vm0, v1, v34  }
0x94: {  	v40 =	vadd.s32 $0xFFFFFBF0, v0;
	v39 =	vor.u32 s10, v7;
	v41 =	vld [tilespmem:$0x440];
	vm0 =	vgt.s32 v1, v38  }
0x95: {  	v5 =	vshll.u32 v33, $0xD;
	v42 =	vadd.s32 v40, v39;
	v1 =	vsel vm0, v1, v38  }
0x96: {  	v44 =	vadd.s32 $0xFFFFFBE0, v0;
	v43 =	vor.u32 s10, v5;
	v45 =	vld [tilespmem:$0x450];
	vm0 =	vgt.s32 v1, v42  }
0x97: {  	v6 =	vshll.u32 v37, $0xD;
	v46 =	vadd.s32 v44, v43;
	v1 =	vsel vm0, v1, v42  }
0x98: {  	v48 =	vadd.s32 $0xFFFFFBD0, v0;
	v47 =	vor.u32 s10, v6;
	v49 =	vld [tilespmem:$0x460];
	vm0 =	vgt.s32 v1, v46  }
0x99: {  	v7 =	vshll.u32 v41, $0xD;
	v50 =	vadd.s32 v48, v47;
	v1 =	vsel vm0, v1, v46  }
0x9a: {  	v52 =	vadd.s32 $0xFFFFFBC0, v0;
	v51 =	vor.u32 s10, v7;
	v53 =	vld [tilespmem:$0x470];
	vm0 =	vgt.s32 v1, v50  }
0x9b: {  	v5 =	vshll.u32 v45, $0xD;
	v54 =	vadd.s32 v52, v51;
	v1 =	vsel vm0, v1, v50  }
0x9c: {  	v56 =	vadd.s32 $0xFFFFFBB0, v0;
	v55 =	vor.u32 s10, v5;
	v57 =	vld [tilespmem:$0x480];
	vm0 =	vgt.s32 v1, v54  }
0x9d: {  	v6 =	vshll.u32 v49, $0xD;
	v58 =	vadd.s32 v56, v55;
	v1 =	vsel vm0, v1, v54  }
0x9e: {  	v60 =	vadd.s32 $0xFFFFFBA0, v0;
	v59 =	vor.u32 s10, v6;
	v61 =	vld [tilespmem:$0x490];
	vm0 =	vgt.s32 v1, v58  }
0x9f: {  	v7 =	vshll.u32 v53, $0xD;
	v62 =	vadd.s32 v60, v59;
	v1 =	vsel vm0, v1, v58  }
0xa0: {  	v9 =	vadd.s32 $0xFFFFFB90, v0;
	v63 =	vor.u32 s10, v7;
	v10 =	vld [tilespmem:$0x4A0];
	vm0 =	vgt.s32 v1, v62  }
0xa1: {  	v5 =	vshll.u32 v57, $0xD;
	v11 =	vadd.s32 v9, v63;
	v1 =	vsel vm0, v1, v62  }
0xa2: {  	v13 =	vadd.s32 $0xFFFFFB80, v0;
	v12 =	vor.u32 s10, v5;
	v14 =	vld [tilespmem:$0x4B0];
	vm0 =	vgt.s32 v1, v11  }
0xa3: {  	v6 =	vshll.u32 v61, $0xD;
	v15 =	vadd.s32 v13, v12;
	v1 =	vsel vm0, v1, v11  }
0xa4: {  	v17 =	vadd.s32 $0xFFFFFB70, v0;
	v16 =	vor.u32 s10, v6;
	v18 =	vld [tilespmem:$0x4C0];
	vm0 =	vgt.s32 v1, v15  }
0xa5: {  	v7 =	vshll.u32 v10, $0xD;
	v19 =	vadd.s32 v17, v16;
	v1 =	vsel vm0, v1, v15  }
0xa6: {  	v21 =	vadd.s32 $0xFFFFFB60, v0;
	v20 =	vor.u32 s10, v7;
	v22 =	vld [tilespmem:$0x4D0];
	vm0 =	vgt.s32 v1, v19  }
0xa7: {  	v5 =	vshll.u32 v14, $0xD;
	v23 =	vadd.s32 v21, v20;
	v1 =	vsel vm0, v1, v19  }
0xa8: {  	v25 =	vadd.s32 $0xFFFFFB50, v0;
	v24 =	vor.u32 s10, v5;
	v26 =	vld [tilespmem:$0x4E0];
	vm0 =	vgt.s32 v1, v23  }
0xa9: {  	v6 =	vshll.u32 v18, $0xD;
	v27 =	vadd.s32 v25, v24;
	v1 =	vsel vm0, v1, v23  }
0xaa: {  	v29 =	vadd.s32 $0xFFFFFB40, v0;
	v28 =	vor.u32 s10, v6;
	v30 =	vld [tilespmem:$0x4F0];
	vm0 =	vgt.s32 v1, v27  }
0xab: {  	v7 =	vshll.u32 v22, $0xD;
	v31 =	vadd.s32 v29, v28;
	v1 =	vsel vm0, v1, v27  }
0xac: {  	v33 =	vadd.s32 $0xFFFFFB30, v0;
	v32 =	vor.u32 s10, v7;
	v34 =	vld [tilespmem:$0x500];
	vm0 =	vgt.s32 v1, v31  }
0xad: {  	v5 =	vshll.u32 v26, $0xD;
	v35 =	vadd.s32 v33, v32;
	v1 =	vsel vm0, v1, v31  }
0xae: {  	v37 =	vadd.s32 $0xFFFFFB20, v0;
	v36 =	vor.u32 s10, v5;
	v38 =	vld [tilespmem:$0x510];
	vm0 =	vgt.s32 v1, v35  }
0xaf: {  	v6 =	vshll.u32 v30, $0xD;
	v39 =	vadd.s32 v37, v36;
	v1 =	vsel vm0, v1, v35  }
0xb0: {  	v41 =	vadd.s32 $0xFFFFFB10, v0;
	v40 =	vor.u32 s10, v6;
	v42 =	vld [tilespmem:$0x520];
	vm0 =	vgt.s32 v1, v39  }
0xb1: {  	v7 =	vshll.u32 v34, $0xD;
	v43 =	vadd.s32 v41, v40;
	v1 =	vsel vm0, v1, v39  }
0xb2: {  	v45 =	vadd.s32 $0xFFFFFB00, v0;
	v44 =	vor.u32 s10, v7;
	v46 =	vld [tilespmem:$0x530];
	vm0 =	vgt.s32 v1, v43  }
0xb3: {  	v5 =	vshll.u32 v38, $0xD;
	v47 =	vadd.s32 v45, v44;
	v1 =	vsel vm0, v1, v43  }
0xb4: {  	v49 =	vadd.s32 $0xFFFFFAF0, v0;
	v48 =	vor.u32 s10, v5;
	v50 =	vld [tilespmem:$0x540];
	vm0 =	vgt.s32 v1, v47  }
0xb5: {  	v6 =	vshll.u32 v42, $0xD;
	v51 =	vadd.s32 v49, v48;
	v1 =	vsel vm0, v1, v47  }
0xb6: {  	v53 =	vadd.s32 $0xFFFFFAE0, v0;
	v52 =	vor.u32 s10, v6;
	v54 =	vld [tilespmem:$0x550];
	vm0 =	vgt.s32 v1, v51  }
0xb7: {  	v7 =	vshll.u32 v46, $0xD;
	v55 =	vadd.s32 v53, v52;
	v1 =	vsel vm0, v1, v51  }
0xb8: {  	v57 =	vadd.s32 $0xFFFFFAD0, v0;
	v56 =	vor.u32 s10, v7;
	v58 =	vld [tilespmem:$0x560];
	vm0 =	vgt.s32 v1, v55  }
0xb9: {  	v5 =	vshll.u32 v50, $0xD;
	v59 =	vadd.s32 v57, v56;
	v1 =	vsel vm0, v1, v55  }
0xba: {  	v61 =	vadd.s32 $0xFFFFFAC0, v0;
	v60 =	vor.u32 s10, v5;
	v62 =	vld [tilespmem:$0x570];
	vm0 =	vgt.s32 v1, v59  }
0xbb: {  	v6 =	vshll.u32 v54, $0xD;
	v63 =	vadd.s32 v61, v60;
	v1 =	vsel vm0, v1, v59  }
0xbc: {  	v10 =	vadd.s32 $0xFFFFFAB0, v0;
	v9 =	vor.u32 s10, v6;
	v11 =	vld [tilespmem:$0x580];
	vm0 =	vgt.s32 v1, v63  }
0xbd: {  	v7 =	vshll.u32 v58, $0xD;
	v12 =	vadd.s32 v10, v9;
	v1 =	vsel vm0, v1, v63  }
0xbe: {  	v14 =	vadd.s32 $0xFFFFFAA0, v0;
	v13 =	vor.u32 s10, v7;
	v15 =	vld [tilespmem:$0x590];
	vm0 =	vgt.s32 v1, v12  }
0xbf: {  	v5 =	vshll.u32 v62, $0xD;
	v16 =	vadd.s32 v14, v13;
	v1 =	vsel vm0, v1, v12  }
0xc0: {  	v18 =	vadd.s32 $0xFFFFFA90, v0;
	v17 =	vor.u32 s10, v5;
	v19 =	vld [tilespmem:$0x5A0];
	vm0 =	vgt.s32 v1, v16  }
0xc1: {  	v6 =	vshll.u32 v11, $0xD;
	v20 =	vadd.s32 v18, v17;
	v1 =	vsel vm0, v1, v16  }
0xc2: {  	v22 =	vadd.s32 $0xFFFFFA80, v0;
	v21 =	vor.u32 s10, v6;
	v23 =	vld [tilespmem:$0x5B0];
	vm0 =	vgt.s32 v1, v20  }
0xc3: {  	v7 =	vshll.u32 v15, $0xD;
	v24 =	vadd.s32 v22, v21;
	v1 =	vsel vm0, v1, v20  }
0xc4: {  	v26 =	vadd.s32 $0xFFFFFA70, v0;
	v25 =	vor.u32 s10, v7;
	v27 =	vld [tilespmem:$0x5C0];
	vm0 =	vgt.s32 v1, v24  }
0xc5: {  	v5 =	vshll.u32 v19, $0xD;
	v28 =	vadd.s32 v26, v25;
	v1 =	vsel vm0, v1, v24  }
0xc6: {  	v30 =	vadd.s32 $0xFFFFFA60, v0;
	v29 =	vor.u32 s10, v5;
	v31 =	vld [tilespmem:$0x5D0];
	vm0 =	vgt.s32 v1, v28  }
0xc7: {  	v6 =	vshll.u32 v23, $0xD;
	v32 =	vadd.s32 v30, v29;
	v1 =	vsel vm0, v1, v28  }
0xc8: {  	v34 =	vadd.s32 $0xFFFFFA50, v0;
	v33 =	vor.u32 s10, v6;
	v35 =	vld [tilespmem:$0x5E0];
	vm0 =	vgt.s32 v1, v32  }
0xc9: {  	v7 =	vshll.u32 v27, $0xD;
	v36 =	vadd.s32 v34, v33;
	v1 =	vsel vm0, v1, v32  }
0xca: {  	v38 =	vadd.s32 $0xFFFFFA40, v0;
	v37 =	vor.u32 s10, v7;
	v39 =	vld [tilespmem:$0x5F0];
	vm0 =	vgt.s32 v1, v36  }
0xcb: {  	v5 =	vshll.u32 v31, $0xD;
	v40 =	vadd.s32 v38, v37;
	v1 =	vsel vm0, v1, v36  }
0xcc: {  	v42 =	vadd.s32 $0xFFFFFA30, v0;
	v41 =	vor.u32 s10, v5;
	v43 =	vld [tilespmem:$0x600];
	vm0 =	vgt.s32 v1, v40  }
0xcd: {  	v6 =	vshll.u32 v35, $0xD;
	v44 =	vadd.s32 v42, v41;
	v1 =	vsel vm0, v1, v40  }
0xce: {  	v46 =	vadd.s32 $0xFFFFFA20, v0;
	v45 =	vor.u32 s10, v6;
	v47 =	vld [tilespmem:$0x610];
	vm0 =	vgt.s32 v1, v44  }
0xcf: {  	v7 =	vshll.u32 v39, $0xD;
	v48 =	vadd.s32 v46, v45;
	v1 =	vsel vm0, v1, v44  }
0xd0: {  	v50 =	vadd.s32 $0xFFFFFA10, v0;
	v49 =	vor.u32 s10, v7;
	v51 =	vld [tilespmem:$0x620];
	vm0 =	vgt.s32 v1, v48  }
0xd1: {  	v5 =	vshll.u32 v43, $0xD;
	v52 =	vadd.s32 v50, v49;
	v1 =	vsel vm0, v1, v48  }
0xd2: {  	v54 =	vadd.s32 $0xFFFFFA00, v0;
	v53 =	vor.u32 s10, v5;
	v55 =	vld [tilespmem:$0x630];
	vm0 =	vgt.s32 v1, v52  }
0xd3: {  	v6 =	vshll.u32 v47, $0xD;
	v56 =	vadd.s32 v54, v53;
	v1 =	vsel vm0, v1, v52  }
0xd4: {  	v58 =	vadd.s32 $0xFFFFF9F0, v0;
	v57 =	vor.u32 s10, v6;
	v59 =	vld [tilespmem:$0x640];
	vm0 =	vgt.s32 v1, v56  }
0xd5: {  	v7 =	vshll.u32 v51, $0xD;
	v60 =	vadd.s32 v58, v57;
	v1 =	vsel vm0, v1, v56  }
0xd6: {  	v62 =	vadd.s32 $0xFFFFF9E0, v0;
	v61 =	vor.u32 s10, v7;
	v63 =	vld [tilespmem:$0x650];
	vm0 =	vgt.s32 v1, v60  }
0xd7: {  	v5 =	vshll.u32 v55, $0xD;
	v9 =	vadd.s32 v62, v61;
	v1 =	vsel vm0, v1, v60  }
0xd8: {  	v11 =	vadd.s32 $0xFFFFF9D0, v0;
	v10 =	vor.u32 s10, v5;
	v12 =	vld [tilespmem:$0x660];
	vm0 =	vgt.s32 v1, v9  }
0xd9: {  	v6 =	vshll.u32 v59, $0xD;
	v13 =	vadd.s32 v11, v10;
	v1 =	vsel vm0, v1, v9  }
0xda: {  	v15 =	vadd.s32 $0xFFFFF9C0, v0;
	v14 =	vor.u32 s10, v6;
	v16 =	vld [tilespmem:$0x670];
	vm0 =	vgt.s32 v1, v13  }
0xdb: {  	v7 =	vshll.u32 v63, $0xD;
	v17 =	vadd.s32 v15, v14;
	v1 =	vsel vm0, v1, v13  }
0xdc: {  	v19 =	vadd.s32 $0xFFFFF9B0, v0;
	v18 =	vor.u32 s10, v7;
	v20 =	vld [tilespmem:$0x680];
	vm0 =	vgt.s32 v1, v17  }
0xdd: {  	v5 =	vshll.u32 v12, $0xD;
	v21 =	vadd.s32 v19, v18;
	v1 =	vsel vm0, v1, v17  }
0xde: {  	v23 =	vadd.s32 $0xFFFFF9A0, v0;
	v22 =	vor.u32 s10, v5;
	v24 =	vld [tilespmem:$0x690];
	vm0 =	vgt.s32 v1, v21  }
0xdf: {  	v6 =	vshll.u32 v16, $0xD;
	v25 =	vadd.s32 v23, v22;
	v1 =	vsel vm0, v1, v21  }
0xe0: {  	v27 =	vadd.s32 $0xFFFFF990, v0;
	v26 =	vor.u32 s10, v6;
	v28 =	vld [tilespmem:$0x6A0];
	vm0 =	vgt.s32 v1, v25  }
0xe1: {  	v7 =	vshll.u32 v20, $0xD;
	v29 =	vadd.s32 v27, v26;
	v1 =	vsel vm0, v1, v25  }
0xe2: {  	v31 =	vadd.s32 $0xFFFFF980, v0;
	v30 =	vor.u32 s10, v7;
	v32 =	vld [tilespmem:$0x6B0];
	vm0 =	vgt.s32 v1, v29  }
0xe3: {  	v5 =	vshll.u32 v24, $0xD;
	v33 =	vadd.s32 v31, v30;
	v1 =	vsel vm0, v1, v29  }
0xe4: {  	v35 =	vadd.s32 $0xFFFFF970, v0;
	v34 =	vor.u32 s10, v5;
	v36 =	vld [tilespmem:$0x6C0];
	vm0 =	vgt.s32 v1, v33  }
0xe5: {  	v6 =	vshll.u32 v28, $0xD;
	v37 =	vadd.s32 v35, v34;
	v1 =	vsel vm0, v1, v33  }
0xe6: {  	v39 =	vadd.s32 $0xFFFFF960, v0;
	v38 =	vor.u32 s10, v6;
	v40 =	vld [tilespmem:$0x6D0];
	vm0 =	vgt.s32 v1, v37  }
0xe7: {  	v7 =	vshll.u32 v32, $0xD;
	v41 =	vadd.s32 v39, v38;
	v1 =	vsel vm0, v1, v37  }
0xe8: {  	v43 =	vadd.s32 $0xFFFFF950, v0;
	v42 =	vor.u32 s10, v7;
	v44 =	vld [tilespmem:$0x6E0];
	vm0 =	vgt.s32 v1, v41  }
0xe9: {  	v5 =	vshll.u32 v36, $0xD;
	v45 =	vadd.s32 v43, v42;
	v1 =	vsel vm0, v1, v41  }
0xea: {  	v47 =	vadd.s32 $0xFFFFF940, v0;
	v46 =	vor.u32 s10, v5;
	v48 =	vld [tilespmem:$0x6F0];
	vm0 =	vgt.s32 v1, v45  }
0xeb: {  	v6 =	vshll.u32 v40, $0xD;
	v49 =	vadd.s32 v47, v46;
	v1 =	vsel vm0, v1, v45  }
0xec: {  	v51 =	vadd.s32 $0xFFFFF930, v0;
	v50 =	vor.u32 s10, v6;
	v52 =	vld [tilespmem:$0x700];
	vm0 =	vgt.s32 v1, v49  }
0xed: {  	v7 =	vshll.u32 v44, $0xD;
	v53 =	vadd.s32 v51, v50;
	v1 =	vsel vm0, v1, v49  }
0xee: {  	v55 =	vadd.s32 $0xFFFFF920, v0;
	v54 =	vor.u32 s10, v7;
	v56 =	vld [tilespmem:$0x710];
	vm0 =	vgt.s32 v1, v53  }
0xef: {  	v5 =	vshll.u32 v48, $0xD;
	v57 =	vadd.s32 v55, v54;
	v1 =	vsel vm0, v1, v53  }
0xf0: {  	v59 =	vadd.s32 $0xFFFFF910, v0;
	v58 =	vor.u32 s10, v5;
	v60 =	vld [tilespmem:$0x720];
	vm0 =	vgt.s32 v1, v57  }
0xf1: {  	v6 =	vshll.u32 v52, $0xD;
	v61 =	vadd.s32 v59, v58;
	v1 =	vsel vm0, v1, v57  }
0xf2: {  	v63 =	vadd.s32 $0xFFFFF900, v0;
	v62 =	vor.u32 s10, v6;
	v9 =	vld [tilespmem:$0x730];
	vm0 =	vgt.s32 v1, v61  }
0xf3: {  	v7 =	vshll.u32 v56, $0xD;
	v10 =	vadd.s32 v63, v62;
	v1 =	vsel vm0, v1, v61  }
0xf4: {  	v12 =	vadd.s32 $0xFFFFF8F0, v0;
	v11 =	vor.u32 s10, v7;
	v13 =	vld [tilespmem:$0x740];
	vm0 =	vgt.s32 v1, v10  }
0xf5: {  	v5 =	vshll.u32 v60, $0xD;
	v14 =	vadd.s32 v12, v11;
	v1 =	vsel vm0, v1, v10  }
0xf6: {  	v16 =	vadd.s32 $0xFFFFF8E0, v0;
	v15 =	vor.u32 s10, v5;
	v17 =	vld [tilespmem:$0x750];
	vm0 =	vgt.s32 v1, v14  }
0xf7: {  	v6 =	vshll.u32 v9, $0xD;
	v18 =	vadd.s32 v16, v15;
	v1 =	vsel vm0, v1, v14  }
0xf8: {  	v20 =	vadd.s32 $0xFFFFF8D0, v0;
	v19 =	vor.u32 s10, v6;
	v21 =	vld [tilespmem:$0x760];
	vm0 =	vgt.s32 v1, v18  }
0xf9: {  	v7 =	vshll.u32 v13, $0xD;
	v22 =	vadd.s32 v20, v19;
	v1 =	vsel vm0, v1, v18  }
0xfa: {  	v24 =	vadd.s32 $0xFFFFF8C0, v0;
	v23 =	vor.u32 s10, v7;
	v25 =	vld [tilespmem:$0x770];
	vm0 =	vgt.s32 v1, v22  }
0xfb: {  	v5 =	vshll.u32 v17, $0xD;
	v26 =	vadd.s32 v24, v23;
	v1 =	vsel vm0, v1, v22  }
0xfc: {  	v28 =	vadd.s32 $0xFFFFF8B0, v0;
	v27 =	vor.u32 s10, v5;
	v29 =	vld [tilespmem:$0x780];
	vm0 =	vgt.s32 v1, v26  }
0xfd: {  	v6 =	vshll.u32 v21, $0xD;
	v30 =	vadd.s32 v28, v27;
	v1 =	vsel vm0, v1, v26  }
0xfe: {  	v32 =	vadd.s32 $0xFFFFF8A0, v0;
	v31 =	vor.u32 s10, v6;
	v33 =	vld [tilespmem:$0x790];
	vm0 =	vgt.s32 v1, v30  }
0xff: {  	v7 =	vshll.u32 v25, $0xD;
	v34 =	vadd.s32 v32, v31;
	v1 =	vsel vm0, v1, v30  }
0x100: {  	v36 =	vadd.s32 $0xFFFFF890, v0;
	v35 =	vor.u32 s10, v7;
	v37 =	vld [tilespmem:$0x7A0];
	vm0 =	vgt.s32 v1, v34  }
0x101: {  	v5 =	vshll.u32 v29, $0xD;
	v38 =	vadd.s32 v36, v35;
	v1 =	vsel vm0, v1, v34  }
0x102: {  	v40 =	vadd.s32 $0xFFFFF880, v0;
	v39 =	vor.u32 s10, v5;
	v41 =	vld [tilespmem:$0x7B0];
	vm0 =	vgt.s32 v1, v38  }
0x103: {  	v6 =	vshll.u32 v33, $0xD;
	v42 =	vadd.s32 v40, v39;
	v1 =	vsel vm0, v1, v38  }
0x104: {  	v44 =	vadd.s32 $0xFFFFF870, v0;
	v43 =	vor.u32 s10, v6;
	v45 =	vld [tilespmem:$0x7C0];
	vm0 =	vgt.s32 v1, v42  }
0x105: {  	v7 =	vshll.u32 v37, $0xD;
	v46 =	vadd.s32 v44, v43;
	v1 =	vsel vm0, v1, v42  }
0x106: {  	v48 =	vadd.s32 $0xFFFFF860, v0;
	v47 =	vor.u32 s10, v7;
	v49 =	vld [tilespmem:$0x7D0];
	vm0 =	vgt.s32 v1, v46  }
0x107: {  	v5 =	vshll.u32 v41, $0xD;
	v50 =	vadd.s32 v48, v47;
	v1 =	vsel vm0, v1, v46  }
0x108: {  	v52 =	vadd.s32 $0xFFFFF850, v0;
	v51 =	vor.u32 s10, v5;
	v53 =	vld [tilespmem:$0x7E0];
	vm0 =	vgt.s32 v1, v50  }
0x109: {  	v6 =	vshll.u32 v45, $0xD;
	v54 =	vadd.s32 v52, v51;
	v1 =	vsel vm0, v1, v50  }
0x10a: {  	v56 =	vadd.s32 $0xFFFFF840, v0;
	v55 =	vor.u32 s10, v6;
	v57 =	vld [tilespmem:$0x7F0];
	vm0 =	vgt.s32 v1, v54  }
0x10b: {  	v58 =	vshll.u32 v49, $0xD;
	v3 =	vadd.s32 v56, v55;
	v1 =	vsel vm0, v1, v54  }
0x10c: {  	v59 =	vadd.s32 $0xFFFFF830, v0;
	v2 =	vor.u32 s10, v58;
	vm0 =	vgt.s32 v1, v3  }
0x10d: {  	v60 =	vshll.u32 v53, $0xD;
	v2 =	vadd.s32 v59, v2;
	v1 =	vsel vm0, v1, v3  }
0x10e: {  	v61 =	vadd.s32 $0xFFFFF820, v0;
	v3 =	vor.u32 s10, v60;
	vm0 =	vgt.s32 v1, v2  }
0x10f: {  	v63 =	vshll.u32 v57, $0xD;
	v62 =	vadd.s32 v61, v3;
	v1 =	vsel vm0, v1, v2  }
0x110: {  	v0 =	vadd.s32 $0xFFFFF810, v0;
	v3 =	vor.u32 s10, v63;
	vm0 =	vgt.s32 v1, v62  }
0x111: {  	v0 =	vadd.s32 v0, v3;
	v1 =	vsel vm0, v1, v62  }
0x112: {  	vm0 =	vgt.s32 v1, v0  }
0x113: {  	s8 =	sadd.s32 $0x800, s8;
	s30 =	sshll.u32 s1, $0x4;
	v0 =	vsel vm0, v1, v0  }
0x114: {  	s31 =	simm.s32 $0x800;
	s10 =	sadd.s32 s8, s30;
	[tilespmem:$0x800] =	vst v0  }
0x115: {  	[hbm4b:s10+s6] =	stream.linear.scatter [tilespmem:s31], [sflag:$0x1], $0x80, $0x38;
	[tilespmem:$0x1280] =	vst v63  }
0x116: {  	_ =	swait.ge [sflag:s28], $0x80  }
0x117: {  	p0 =	sne.s32 s7, $0x0;
	[sflag:s28] =	ssyncset.done $0x0  }
0x118: {  	s7 =	simm.s32 @!p0 $0x0;
	s6 =	sshll.u32 @!p0 s5, $0x6;
	[sflag:s28] =	ssyncadd.s32 $0xFFFFFF80  }
0x119: {  	s6 =	sadd.s32 @!p0 s8, s6;
	s8 =	simm.s32 @!p0 $0x880;
	[bflag:$0x0] =	sbarrier.arrive $0xFFFF  }
0x11a: {  	[tilespmem:s8], [sflag:$0x1] =	stream.linear.gather @!p0 [hbm4b:s6+s7], $0x200, $0x38;
	[tilespmem:$0x1280] =	vst v63  }
0x11b: {  	s6 =	simm.s32 @!p0 $0x1  }
0x11c: {  	_ =	swait.ge @!p0 [sflag:s6], $0x200  }
0x11d: {  	[sflag:s6] =	ssyncset.done @!p0 $0x0  }
0x11e: {  	[sflag:s6] =	ssyncadd.s32 @!p0 $0xFFFFFE00  }
0x11f: {  	v0 =	vld @!p0 [tilespmem:$0x880]  }
0x120: {  	v1 =	vld @!p0 [tilespmem:$0x900];
	_ =	sdelay $0x1  }
0x121: {  	v2 =	vld @!p0 [tilespmem:$0x980];
	_ =	sdelay $0x1  }
0x122: {  	v3 =	vld @!p0 [tilespmem:$0xA00]  }
0x123: {  	vm0 =	vgt.s32 @!p0 v0, v1  }
0x124: {  	v0 =	vsel @!p0 vm0, v0, v1  }
0x125: {  	vm0 =	vgt.s32 @!p0 v0, v2  }
0x126: {  	v0 =	vsel @!p0 vm0, v0, v2  }
0x127: {  	vm0 =	vgt.s32 @!p0 v0, v3  }
0x128: {  	v0 =	vsel @!p0 vm0, v0, v3  }
0x129: {  	v0 =	vxor.u32 @!p0 $0x80000000, v0  }
0x12a: {  	(xrf0) =	vmax.scan.msk.u32 @!p0 $0xffff, v0;
	_ =	sdelay $0x5  }
0x12b: {  	v0, _, _ =	vpop @!p0 (xrf0)  }
0x12c: {  	(v2sf) =	vpush @!p0 v0, $0xF;
	_ =	sdelay $0xe  }
0x12d: {  	s7 =	spop @!p0 (v2sf)  }
0x12e: {  	s7 =	sxor.u32 @!p0 $0xFFFFFFFF, s7  }
0x12f: {  	s5 =	sshll.u32 @!p0 s5, $0x15;
	s8 =	sshll.u32 @!p0 s7, $0x8  }
0x130: {  	s4 =	sadd.s32 @!p0 s4, s5;
	s7 =	sshll.u32 @!p0 s7, $0x4;
	s5 =	sand.u32 @!p0 $0x1FF800, s8  }
0x131: {  	s7 =	sand.u32 @!p0 $0x70, s7;
	s8 =	simm.s32 @!p0 $0xA80;
	s4 =	sadd.s32 @!p0 s5, s4  }
0x132: {  	s5 =	simm.s32 @!p0 $0x80;
	s4 =	sadd.s32 @!p0 s7, s4;
	s7 =	simm.s32 @!p0 $0x400  }
0x133: {  	[tilespmem:s8], [sflag:$0x1] =	stream.strided.gather @!p0 [hbm4b:s4+s5], $0x800, s7, s5, $0x38;
	[tilespmem:$0x1280] =	vst v63  }
0x134: {  	_ =	swait.ge @!p0 [sflag:s6], $0x800  }
0x135: {  	[sflag:s6] =	ssyncset.done @!p0 $0x0  }
0x136: {  	s2 =	sadd.s32 @!p0 s2, s3;
	s3 =	simm.s32 @!p0 $0x200;
	[sflag:s6] =	ssyncadd.s32 @!p0 $0xFFFFF800  }
0x137: {  	[hbm4b:s2+s5] =	stream.strided.scatter @!p0 [tilespmem:s8], [sflag:$0x1], $0x800, s3, s5, $0x38;
	[tilespmem:$0x1280] =	vst v63  }
0x138: {  	_ =	swait.ge @!p0 [sflag:s6], $0x800  }
0x139: {  	[sflag:s6] =	ssyncset.done @!p0 $0x0  }
0x13a: {  	[sflag:s6] =	ssyncadd.s32 @!p0 $0xFFFFF800  }
0x13b: {  	_ =	sfence.sel $0x180000  }
0x13c: {  	[bflag:$0x0] =	sbarrier.arrive $0xFFFF  }
0x13d: {  	p0 =	sne.s32 s1, $0x0;
	_ =	strace $0x90000047  }
0x13e: {  	s0 =	sadd.s32 @!p0 $0x100000, s0;
	[bflag:$0x2] =	sbarrier.arrive $0xFFFF  }
0x13f: {  	[sflag:s0] =	ssyncadd.tile.s32 @!p0 $0x1;
	_ =	shalt  }
.Lfunc_end2:
_tile_overlayer_lowered:
.L_overlay_start_2:
0x140: {  	(tag) =	ssettag $0x2  }
0x141: {  	s0 =	rddreg [dreg:$0x0];
	s2 =	stileid.u32  }
0x142: {  	s1 =	rddreg [dreg:$0x1];
	p0 =	sne.s32 s2, $0x0  }
0x143: {  	s3 =	rddreg [dreg:$0x2];
	[bflag:$0x3] =	sbarrier.arrive $0xFFFF;
	s2 =	simm.s32 @!p0 $0x1C01  }
0x144: {  	[timem:s3], [sflag:s2] =	dma.local @!p0 [hbm:s0], s1  }
0x145: {  	s0 =	simm.s32 @!p0 $0x1  }
0x146: {  	_ =	swait.ge @!p0 [sflag:s0], s1  }
0x147: {  	s1 =	ssub.s32 @!p0 $0x0, s1;
	[sflag:s0] =	ssyncset.done @!p0 $0x0  }
0x148: {  	[sflag:s0] =	ssyncadd.s32 @!p0 s1  }
0x149: {  	[bflag:$0x3] =	sbarrier.arrive $0xFFFF  }
0x14a: {  	_ =	shalt  }

</sc_bundles>
